<compile_context>
chip_gen: v7x
topology: tpu7x:2x2x1
jax: 0.10.2.dev20260603
libtpu: 0.0.44.dev20260713+nightly
codegen_flags: <defaults>
</compile_context>

<pallas_src>
import functools

import jax
import jax.numpy as jnp
from jax import lax
from jax.experimental import pallas as pl
from jax.experimental.pallas import tpu as pltpu
from jax.experimental.pallas import tpu_sc as plsc

BN = 2000
SC_NW = 32
SC_CHUNK = 128


def _pass1_body(h, w, thresh_ref, cls_ref, anc_ref, reg_ref, packed_ref,
                carry_ref, le_ref):
    b = pl.program_id(0)
    nb = pl.program_id(1)

    @pl.when(nb == 0)
    def _():
        ii = lax.broadcasted_iota(jnp.int32, (BN, BN), 0)
        jj = lax.broadcasted_iota(jnp.int32, (BN, BN), 1)
        le_ref[...] = (ii <= jj).astype(jnp.float32)
        carry_ref[0] = 0.0

    x = cls_ref[0]
    c = x.shape[1]
    score = jnp.max(x, axis=1, keepdims=True)
    iota_c = lax.broadcasted_iota(jnp.int32, x.shape, 1)
    amax = jnp.min(jnp.where(x == score, iota_c, c), axis=1, keepdims=True)

    a = anc_ref[0]
    r = reg_ref[0]
    aw = a[:, 2:3] - a[:, 0:1]
    ah = a[:, 3:4] - a[:, 1:2]
    cx = a[:, 0:1] + 0.5 * aw
    cy = a[:, 1:2] + 0.5 * ah
    pcx = cx + r[:, 0:1] * 0.1 * aw
    pcy = cy + r[:, 1:2] * 0.1 * ah
    pw = jnp.exp(r[:, 2:3] * 0.2) * aw
    ph = jnp.exp(r[:, 3:4] * 0.2) * ah
    x1 = jnp.clip(pcx - 0.5 * pw, 0.0, w)
    y1 = jnp.clip(pcy - 0.5 * ph, 0.0, h)
    x2 = jnp.clip(pcx + 0.5 * pw, 0.0, w)
    y2 = jnp.clip(pcy + 0.5 * ph, 0.0, h)

    maskf = (score > thresh_ref[0, 0]).astype(jnp.float32)

    m = jnp.concatenate(
        [x1, y1, x2, y2, score, amax.astype(jnp.float32), maskf], axis=1)
    mt = jnp.transpose(m)
    mask_row = mt[6:7]
    psum_row = jnp.dot(mask_row, le_ref[...],
                       preferred_element_type=jnp.float32) + carry_ref[0]
    carry_ref[0] = carry_ref[0] + jnp.sum(maskf)

    packed_ref[0] = jnp.concatenate([mt[0:6], psum_row, mask_row], axis=0)


def _sc_scatter_body(nblk, nbpi, n, tot, ppb, bpad, nch, packed_hbm, out_hbm,
                     comp_v, rows_v, idx_v, tv, sem):
    wid = lax.axis_index("s") * 2 + lax.axis_index("c")
    iota16 = lax.broadcasted_iota(jnp.int32, (16,), 0)

    def do_block(gi):
        b = gi // nbpi
        pltpu.sync_copy(packed_hbm.at[gi], comp_v)
        pltpu.sync_copy(
            packed_hbm.at[(b + 1) * nbpi - 1, 6, pl.ds(BN - 16, 16)], tv)
        t = jnp.max(tv[...])
        base_row = (gi - b * nbpi) * BN
        boff = (b * n).astype(jnp.float32)
        nvec = BN // 16

        def dbody(k, _):
            psv = comp_v[6, pl.ds(k * 16, 16)]
            mkv = comp_v[7, pl.ds(k * 16, 16)]
            rowf = (base_row + k * 16 + iota16).astype(jnp.float32)
            dv = jnp.where(mkv > 0.0, psv - 1.0, t + rowf - psv) + boff
            j = k // 8
            idx_v[j, pl.ds((k - j * 8) * 16, 16)] = dv.astype(jnp.int32)
            return 0

        lax.fori_loop(0, nvec, dbody, 0)
        for kp in range(nvec, bpad // 16):
            jp = kp // 8
            idx_v[jp, pl.ds((kp - jp * 8) * 16, 16)] = (
                tot + gi * ppb + (kp * 16 - BN) + iota16)
        for ci in range(8):
            col = jnp.full((16,), ci, jnp.int32)

            def body(k, _):
                vec = comp_v[ci, pl.ds(k * 16, 16)]
                rows = k * 16 + lax.broadcasted_iota(jnp.int32, (16,), 0)
                plsc.store_scatter(rows_v, [rows, col], vec)
                return 0

            lax.fori_loop(0, nvec, body, 0)
        cps = []
        for j in range(nch):
            cps.append(
                pltpu.async_copy(rows_v.at[pl.ds(j * SC_CHUNK, SC_CHUNK)],
                                 out_hbm.at[idx_v.at[j]], sem))
        for cp in cps:
            cp.wait()

    do_block(wid)

    @pl.when(wid + SC_NW < nblk)
    def _():
        do_block(wid + SC_NW)


def kernel(imgs, classifications, regressions, anchors, cls_thresh):
    batch, _, height, width = imgs.shape
    _, n, c = classifications.shape
    nb_per_img = n // BN
    g = batch * nb_per_img
    total = batch * n

    thresh = jnp.broadcast_to(cls_thresh.astype(jnp.float32), (8, 128))

    packed_t = pl.pallas_call(
        functools.partial(_pass1_body, float(height), float(width)),
        grid=(batch, nb_per_img),
        in_specs=[
            pl.BlockSpec((8, 128), lambda b, nb: (0, 0)),
            pl.BlockSpec((1, BN, c), lambda b, nb: (b, nb, 0)),
            pl.BlockSpec((1, BN, 4), lambda b, nb: (b, nb, 0)),
            pl.BlockSpec((1, BN, 4), lambda b, nb: (b, nb, 0)),
        ],
        out_specs=pl.BlockSpec((1, 8, BN),
                               lambda b, nb: (b * (n // BN) + nb, 0, 0)),
        out_shape=jax.ShapeDtypeStruct((g, 8, BN), jnp.float32),
        scratch_shapes=[pltpu.SMEM((1,), jnp.float32),
                        pltpu.VMEM((BN, BN), jnp.float32)],
    )(thresh, classifications, anchors, regressions)

    bpad = -(-BN // SC_CHUNK) * SC_CHUNK
    nch = bpad // SC_CHUNK
    ppb = bpad - BN
    out_rows = total + g * ppb

    sc_fn = functools.partial(
        pl.kernel,
        mesh=plsc.VectorSubcoreMesh(core_axis_name="c", subcore_axis_name="s"),
        out_type=jax.ShapeDtypeStruct((out_rows, 8), jnp.float32),
        scratch_types=[
            pltpu.VMEM((8, BN), jnp.float32),
            pltpu.VMEM((bpad, 8), jnp.float32),
            pltpu.VMEM((nch, SC_CHUNK), jnp.int32),
            pltpu.VMEM((16,), jnp.float32),
            pltpu.SemaphoreType.DMA,
        ],
        compiler_params=pltpu.CompilerParams(use_tc_tiling_on_sc=False,
                                             needs_layout_passes=False),
    )(functools.partial(_sc_scatter_body, g, nb_per_img, n, total, ppb, bpad,
                        nch))

    out = sc_fn(packed_t)
    res = out[:total].reshape(batch, n, 8)

    boxes = tuple(res[i, :, 0:4] for i in range(batch))
    cls = tuple(res[i, :, 5].astype(jnp.int32) for i in range(batch))
    scores = tuple(res[i, :, 4] for i in range(batch))
    return (boxes, cls, scores)

# --- scband reference (transcript-rebuilt; emitter-appended) ---
"""Pipeline reference for scband-inference-transform-66202625900988 (READ-ONLY COPY).

The authoritative reference and input builder live on the scoring server;
editing this copy changes nothing except your own understanding.
"""

import jax, jax.numpy as jnp
import numpy as np

REGRESS_FACTOR = jnp.array([0.1, 0.1, 0.2, 0.2], dtype=jnp.float32)


def bbox_transform(anchors, regressions, rf):
    widths = anchors[..., 2] - anchors[..., 0]
    heights = anchors[..., 3] - anchors[..., 1]
    ctr_x = anchors[..., 0] + 0.5 * widths
    ctr_y = anchors[..., 1] + 0.5 * heights
    dx = regressions[..., 0] * rf[0]
    dy = regressions[..., 1] * rf[1]
    dw = regressions[..., 2] * rf[2]
    dh = regressions[..., 3] * rf[3]
    pred_ctr_x = ctr_x + dx * widths
    pred_ctr_y = ctr_y + dy * heights
    pred_w = jnp.exp(dw) * widths
    pred_h = jnp.exp(dh) * heights
    x1 = pred_ctr_x - 0.5 * pred_w
    y1 = pred_ctr_y - 0.5 * pred_h
    x2 = pred_ctr_x + 0.5 * pred_w
    y2 = pred_ctr_y + 0.5 * pred_h
    return jnp.stack([x1, y1, x2, y2], axis=-1)


def clip_boxes_to_image(boxes, size_hw):
    h, w = size_hw
    x1 = jnp.clip(boxes[..., 0], 0.0, w)
    y1 = jnp.clip(boxes[..., 1], 0.0, h)
    x2 = jnp.clip(boxes[..., 2], 0.0, w)
    y2 = jnp.clip(boxes[..., 3], 0.0, h)
    return jnp.stack([x1, y1, x2, y2], axis=-1)


def setup_inputs(seed: int = 0) -> dict:
    key = jax.random.key(seed)
    k1, k2, k3, k4, k5 = jax.random.split(key, 5)
    B, N, C = 4, 20000, 80
    H = W = 512
    imgs = jax.random.normal(k1, (B, 3, H, W), dtype=jnp.float32)
    classifications = jax.random.uniform(k2, (B, N, C), dtype=jnp.float32)
    regressions = jax.random.normal(k3, (B, N, 4), dtype=jnp.float32) * 0.5
    cx = jax.random.uniform(k4, (B, N), dtype=jnp.float32) * W
    cy = jax.random.uniform(jax.random.fold_in(k4, 1), (B, N), dtype=jnp.float32) * H
    bw = 16.0 + jax.random.uniform(k5, (B, N), dtype=jnp.float32) * 48.0
    bh = 16.0 + jax.random.uniform(jax.random.fold_in(k5, 1), (B, N), dtype=jnp.float32) * 48.0
    anchors = jnp.stack([cx - 0.5 * bw, cy - 0.5 * bh, cx + 0.5 * bw, cy + 0.5 * bh], axis=-1)
    cls_thresh = jnp.zeros((), dtype=jnp.float32)
    return {"imgs": imgs, "classifications": classifications, "regressions": regressions, "anchors": anchors, "cls_thresh": cls_thresh}


def reference(imgs, classifications, regressions, anchors, cls_thresh):
    batch_size, num_channels, height, width = imgs.shape
    scores = jnp.max(classifications, axis=2, keepdims=True)
    scores_over_thresh = (scores > cls_thresh)[:, :, 0]
    transformed_anchors = bbox_transform(anchors, regressions, REGRESS_FACTOR)
    transformed_anchors = clip_boxes_to_image(transformed_anchors, (height, width))
    list_transformed_anchors = []
    list_classifications = []
    list_scores = []
    for i in range(batch_size):
        mask_i = scores_over_thresh[i]
        idx = jnp.argsort(jnp.logical_not(mask_i), stable=True)
        transformed_anchors_i = transformed_anchors[i][idx, :]
        cls_i = classifications[i][idx, :]
        final_classification_scores_i = jnp.max(cls_i, axis=1)
        final_classification_i = jnp.argmax(cls_i, axis=1)
        list_transformed_anchors.append(transformed_anchors_i)
        list_classifications.append(final_classification_i)
        list_scores.append(final_classification_scores_i)
    return (tuple(list_transformed_anchors), tuple(list_classifications), tuple(list_scores))

if __name__ == "__main__":
    import jax
    _d = setup_inputs()
    print(jax.jit(kernel)(*tuple(_d.values())))

</pallas_src>

<mosaic_0001>
#map = affine_map<(d0, d1) -> (0, 0, 0)>
#map1 = affine_map<(d0, d1) -> (0, 0)>
module attributes {stable_mosaic.version = 14 : i64} {
  func.func @_sc_scatter_body(%arg0: i32, %arg1: i32, %arg2: memref<40x8x2000xf32, #tpu.memory_space<hbm>>, %arg3: memref<81920x8xf32, #tpu.memory_space<hbm>>, %arg4: memref<8x2000xf32, #tpu.memory_space<vmem>>, %arg5: memref<2048x8xf32, #tpu.memory_space<vmem>>, %arg6: memref<16x128xi32, #tpu.memory_space<vmem>>, %arg7: memref<16xf32, #tpu.memory_space<vmem>>, %arg8: memref<!tpu.dma_semaphore, #tpu.memory_space<semaphore_mem>>) attributes {dimension_semantics = [#tpu.dimension_semantics<core_parallel>, #tpu.dimension_semantics<subcore_parallel>], iteration_bounds = array<i64: 2, 16>, scalar_prefetch = 0 : i64, scratch_operands = 5 : i64, tpu.core_type = #tpu.core_type<sc_vector_subcore>, window_params = [{transform_indices = #map}, {transform_indices = #map1}]} {
    %mul3A = arith.constant 2 : i32
    %mul3A_0 = arith.muli %arg1, %mul3A : i32
    %add3A = arith.addi %mul3A_0, %arg0 : i32
    %iota3A = tpu.iota {dimensions = array<i32: 0>} : vector<16xi32>
    %jit3A = arith.constant 10 : i32
    %div3A = arith.divsi %add3A, %jit3A : i32
    %sign3A = arith.constant 0 : i32
    %sign3A_1 = arith.cmpi sgt, %add3A, %sign3A : i32
    %sign3A_2 = arith.extui %sign3A_1 : i1 to i32
    %sign3A_3 = arith.constant 0 : i32
    %sign3A_4 = arith.cmpi slt, %add3A, %sign3A_3 : i32
    %sign3A_5 = arith.extui %sign3A_4 : i1 to i32
    %sign3A_6 = arith.subi %sign3A_2, %sign3A_5 : i32
    %sign3A_7 = arith.constant 0 : i32
    %sign3A_8 = arith.cmpi sgt, %jit3A, %sign3A_7 : i32
    %sign3A_9 = arith.extui %sign3A_8 : i1 to i32
    %sign3A_10 = arith.constant 0 : i32
    %sign3A_11 = arith.cmpi slt, %jit3A, %sign3A_10 : i32
    %sign3A_12 = arith.extui %sign3A_11 : i1 to i32
    %sign3A_13 = arith.subi %sign3A_9, %sign3A_12 : i32
    %ne3A = arith.cmpi ne, %sign3A_6, %sign3A_13 : i32
    %rem3A = arith.remsi %add3A, %jit3A : i32
    %ne3A_14 = arith.constant 0 : i32
    %ne3A_15 = arith.cmpi ne, %rem3A, %ne3A_14 : i32
    %and3A = arith.andi %ne3A, %ne3A_15 : i1
    %sub3A = arith.constant 1 : i32
    %sub3A_16 = arith.subi %div3A, %sub3A : i32
    %select_n3A = arith.select %and3A, %sub3A_16, %div3A : i32
    "tpu.region"() ({
      %run_scoped3A_469 = tpu.sem_alloc : memref<!tpu.dma_semaphore, #tpu.memory_space<semaphore_mem>>
      %dma_start3A_470 = arith.constant 0 : i32
      %dma_start3A_471 = arith.constant 0 : i32
      %dma_start3A_472 = tpu.memref_slice %arg2[%add3A, %dma_start3A_470, %dma_start3A_471] : memref<40x8x2000xf32, #tpu.memory_space<hbm>> -> memref<1x8x2000xf32, #tpu.memory_space<hbm>>
      %dma_start3A_473 = tpu.memref_squeeze %dma_start3A_472 : memref<1x8x2000xf32, #tpu.memory_space<hbm>> -> memref<8x2000xf32, #tpu.memory_space<hbm>>
      %dma_start3A_474 = arith.constant 0 : i32
      %dma_start3A_475 = arith.constant 0 : i32
      %dma_start3A_476 = tpu.memref_slice %arg2[%add3A, %dma_start3A_474, %dma_start3A_475] : memref<40x8x2000xf32, #tpu.memory_space<hbm>> -> memref<1x8x2000xf32, #tpu.memory_space<hbm>>
      %dma_start3A_477 = tpu.memref_squeeze %dma_start3A_476 : memref<1x8x2000xf32, #tpu.memory_space<hbm>> -> memref<8x2000xf32, #tpu.memory_space<hbm>>
      tpu.enqueue_dma source(%dma_start3A_477 : memref<8x2000xf32, #tpu.memory_space<hbm>>) target(%arg4 : memref<8x2000xf32, #tpu.memory_space<vmem>>) target_semaphore(%run_scoped3A_469 : memref<!tpu.dma_semaphore, #tpu.memory_space<semaphore_mem>>)
      %dma_wait3A_478 = arith.constant 0 : i32
      %dma_wait3A_479 = arith.constant 0 : i32
      %dma_wait3A_480 = tpu.memref_slice %arg2[%add3A, %dma_wait3A_478, %dma_wait3A_479] : memref<40x8x2000xf32, #tpu.memory_space<hbm>> -> memref<1x8x2000xf32, #tpu.memory_space<hbm>>
      %dma_wait3A_481 = tpu.memref_squeeze %dma_wait3A_480 : memref<1x8x2000xf32, #tpu.memory_space<hbm>> -> memref<8x2000xf32, #tpu.memory_space<hbm>>
      %dma_wait3A_482 = arith.constant 0 : i32
      %dma_wait3A_483 = arith.constant 0 : i32
      %dma_wait3A_484 = tpu.memref_slice %arg2[%add3A, %dma_wait3A_482, %dma_wait3A_483] : memref<40x8x2000xf32, #tpu.memory_space<hbm>> -> memref<1x8x2000xf32, #tpu.memory_space<hbm>>
      %dma_wait3A_485 = tpu.memref_squeeze %dma_wait3A_484 : memref<1x8x2000xf32, #tpu.memory_space<hbm>> -> memref<8x2000xf32, #tpu.memory_space<hbm>>
      tpu.wait_dma2 semaphore(%run_scoped3A_469 : memref<!tpu.dma_semaphore, #tpu.memory_space<semaphore_mem>>) src(%dma_wait3A_485 : memref<8x2000xf32, #tpu.memory_space<hbm>>) dst(%arg4 : memref<8x2000xf32, #tpu.memory_space<vmem>>)
      tpu.yield
    }) : () -> ()
    %add3A_17 = arith.constant 1 : i32
    %add3A_18 = arith.addi %select_n3A, %add3A_17 : i32
    %mul3A_19 = arith.constant 10 : i32
    %mul3A_20 = arith.muli %add3A_18, %mul3A_19 : i32
    %sub3A_21 = arith.constant 1 : i32
    %sub3A_22 = arith.subi %mul3A_20, %sub3A_21 : i32
    %run_scoped3A = arith.constant 6 : i32
    "tpu.region"() ({
      %run_scoped3A_469 = tpu.sem_alloc : memref<!tpu.dma_semaphore, #tpu.memory_space<semaphore_mem>>
      %dma_start3A_470 = arith.constant 1984 : i32
      %dma_start3A_471 = tpu.memref_slice %arg2[%sub3A_22, %run_scoped3A, %dma_start3A_470] : memref<40x8x2000xf32, #tpu.memory_space<hbm>> -> memref<1x1x16xf32, #tpu.memory_space<hbm>>
      %dma_start3A_472 = tpu.memref_squeeze %dma_start3A_471 : memref<1x1x16xf32, #tpu.memory_space<hbm>> -> memref<16xf32, #tpu.memory_space<hbm>>
      %dma_start3A_473 = arith.constant 1984 : i32
      %dma_start3A_474 = tpu.memref_slice %arg2[%sub3A_22, %run_scoped3A, %dma_start3A_473] : memref<40x8x2000xf32, #tpu.memory_space<hbm>> -> memref<1x1x16xf32, #tpu.memory_space<hbm>>
      %dma_start3A_475 = tpu.memref_squeeze %dma_start3A_474 : memref<1x1x16xf32, #tpu.memory_space<hbm>> -> memref<16xf32, #tpu.memory_space<hbm>>
      tpu.enqueue_dma source(%dma_start3A_475 : memref<16xf32, #tpu.memory_space<hbm>>) target(%arg7 : memref<16xf32, #tpu.memory_space<vmem>>) target_semaphore(%run_scoped3A_469 : memref<!tpu.dma_semaphore, #tpu.memory_space<semaphore_mem>>)
      %dma_wait3A_476 = arith.constant 1984 : i32
      %dma_wait3A_477 = tpu.memref_slice %arg2[%sub3A_22, %run_scoped3A, %dma_wait3A_476] : memref<40x8x2000xf32, #tpu.memory_space<hbm>> -> memref<1x1x16xf32, #tpu.memory_space<hbm>>
      %dma_wait3A_478 = tpu.memref_squeeze %dma_wait3A_477 : memref<1x1x16xf32, #tpu.memory_space<hbm>> -> memref<16xf32, #tpu.memory_space<hbm>>
      %dma_wait3A_479 = arith.constant 1984 : i32
      %dma_wait3A_480 = tpu.memref_slice %arg2[%sub3A_22, %run_scoped3A, %dma_wait3A_479] : memref<40x8x2000xf32, #tpu.memory_space<hbm>> -> memref<1x1x16xf32, #tpu.memory_space<hbm>>
      %dma_wait3A_481 = tpu.memref_squeeze %dma_wait3A_480 : memref<1x1x16xf32, #tpu.memory_space<hbm>> -> memref<16xf32, #tpu.memory_space<hbm>>
      tpu.wait_dma2 semaphore(%run_scoped3A_469 : memref<!tpu.dma_semaphore, #tpu.memory_space<semaphore_mem>>) src(%dma_wait3A_481 : memref<16xf32, #tpu.memory_space<hbm>>) dst(%arg7 : memref<16xf32, #tpu.memory_space<vmem>>)
      tpu.yield
    }) : () -> ()
    %get3A = arith.constant 0 : index
    %get3A_23 = tpu.vector_load %arg7[%get3A] {strides = array<i32>} : memref<16xf32, #tpu.memory_space<vmem>>, vector<16xf32>,
    %reduce_max3A = arith.constant true
    %reduce_max3A_24 = vector.broadcast %reduce_max3A : i1 to vector<16xi1>
    %reduce_max3A_25 = tpu.scan <max>, %get3A_23 masked %reduce_max3A_24 : vector<16xf32>, vector<16xi1> -> vector<16xf32>
    %reduce_max3A_26 = vector.extract %reduce_max3A_25[15] : f32 from vector<16xf32>
    %mul3A_27 = arith.constant 10 : i32
    %mul3A_28 = arith.muli %select_n3A, %mul3A_27 : i32
    %sub3A_29 = arith.subi %add3A, %mul3A_28 : i32
    %mul3A_30 = arith.constant 2000 : i32
    %mul3A_31 = arith.muli %sub3A_29, %mul3A_30 : i32
    %mul3A_32 = arith.constant 20000 : i32
    %mul3A_33 = arith.muli %select_n3A, %mul3A_32 : i32
    %convert_element_type3A = arith.sitofp %mul3A_33 : i32 to f32
    %scan3A = arith.constant 0 : i32
    %scan3A_34 = arith.constant 0 : i32
    %scan3A_35 = arith.constant 125 : i32
    %scan3A_36 = arith.addi %scan3A_34, %scan3A_35 : i32
    %scan3A_37 = arith.constant 1 : i32
    %scan3A_38 = scf.for %scan3A_469 = %scan3A_34 to %scan3A_36 step %scan3A_37 iter_args(%scan3A_470 = %scan3A) -> (i32)  : i32 {
      %mul3A_471 = arith.constant 16 : i32
      %mul3A_472 = arith.muli %scan3A_469, %mul3A_471 : i32
      %get3A_473 = arith.constant 6 : i32
      %get3A_474 = arith.index_cast %get3A_473 : i32 to index
      %get3A_475 = arith.index_cast %mul3A_472 : i32 to index
      %get3A_476 = tpu.vector_load %arg4[%get3A_474, %get3A_475] {strides = array<i32>} : memref<8x2000xf32, #tpu.memory_space<vmem>>, vector<16xf32>,
      %mul3A_477 = arith.constant 16 : i32
      %mul3A_478 = arith.muli %scan3A_469, %mul3A_477 : i32
      %get3A_479 = arith.constant 7 : i32
      %get3A_480 = arith.index_cast %get3A_479 : i32 to index
      %get3A_481 = arith.index_cast %mul3A_478 : i32 to index
      %get3A_482 = tpu.vector_load %arg4[%get3A_480, %get3A_481] {strides = array<i32>} : memref<8x2000xf32, #tpu.memory_space<vmem>>, vector<16xf32>,
      %mul3A_483 = arith.constant 16 : i32
      %mul3A_484 = arith.muli %scan3A_469, %mul3A_483 : i32
      %add3A_485 = arith.addi %mul3A_31, %mul3A_484 : i32
      %add3A_486 = vector.broadcast %add3A_485 : i32 to vector<16xi32>
      %add3A_487 = arith.addi %add3A_486, %iota3A : vector<16xi32>
      %convert_element_type3A_488 = arith.sitofp %add3A_487 : vector<16xi32> to vector<16xf32>
      %gt3A = arith.constant 0.000000e+00 : f32
      %gt3A_489 = vector.broadcast %gt3A : f32 to vector<16xf32>
      %gt3A_490 = arith.cmpf ogt, %get3A_482, %gt3A_489 : vector<16xf32>
      %sub3A_491 = arith.constant 1.000000e+00 : f32
      %sub3A_492 = vector.broadcast %sub3A_491 : f32 to vector<16xf32>
      %sub3A_493 = arith.subf %get3A_476, %sub3A_492 : vector<16xf32>
      %add3A_494 = vector.broadcast %reduce_max3A_26 : f32 to vector<16xf32>
      %add3A_495 = arith.addf %add3A_494, %convert_element_type3A_488 : vector<16xf32>
      %sub3A_496 = arith.subf %add3A_495, %get3A_476 : vector<16xf32>
      %select_n3A_497 = arith.select %gt3A_490, %sub3A_493, %sub3A_496 : vector<16xi1>, vector<16xf32>
      %add3A_498 = vector.broadcast %convert_element_type3A : f32 to vector<16xf32>
      %add3A_499 = arith.addf %select_n3A_497, %add3A_498 : vector<16xf32>
      %jit3A_500 = arith.constant 8 : i32
      %div3A_501 = arith.divsi %scan3A_469, %jit3A_500 : i32
      %sign3A_502 = arith.constant 0 : i32
      %sign3A_503 = arith.cmpi sgt, %scan3A_469, %sign3A_502 : i32
      %sign3A_504 = arith.extui %sign3A_503 : i1 to i32
      %sign3A_505 = arith.constant 0 : i32
      %sign3A_506 = arith.cmpi slt, %scan3A_469, %sign3A_505 : i32
      %sign3A_507 = arith.extui %sign3A_506 : i1 to i32
      %sign3A_508 = arith.subi %sign3A_504, %sign3A_507 : i32
      %sign3A_509 = arith.constant 0 : i32
      %sign3A_510 = arith.cmpi sgt, %jit3A_500, %sign3A_509 : i32
      %sign3A_511 = arith.extui %sign3A_510 : i1 to i32
      %sign3A_512 = arith.constant 0 : i32
      %sign3A_513 = arith.cmpi slt, %jit3A_500, %sign3A_512 : i32
      %sign3A_514 = arith.extui %sign3A_513 : i1 to i32
      %sign3A_515 = arith.subi %sign3A_511, %sign3A_514 : i32
      %ne3A_516 = arith.cmpi ne, %sign3A_508, %sign3A_515 : i32
      %rem3A_517 = arith.remsi %scan3A_469, %jit3A_500 : i32
      %ne3A_518 = arith.constant 0 : i32
      %ne3A_519 = arith.cmpi ne, %rem3A_517, %ne3A_518 : i32
      %and3A_520 = arith.andi %ne3A_516, %ne3A_519 : i1
      %sub3A_521 = arith.constant 1 : i32
      %sub3A_522 = arith.subi %div3A_501, %sub3A_521 : i32
      %select_n3A_523 = arith.select %and3A_520, %sub3A_522, %div3A_501 : i32
      %convert_element_type3A_524 = arith.fptosi %add3A_499 : vector<16xf32> to vector<16xi32>
      %mul3A_525 = arith.constant 8 : i32
      %mul3A_526 = arith.muli %select_n3A_523, %mul3A_525 : i32
      %sub3A_527 = arith.subi %scan3A_469, %mul3A_526 : i32
      %mul3A_528 = arith.constant 16 : i32
      %mul3A_529 = arith.muli %sub3A_527, %mul3A_528 : i32
      %swap3A_530 = arith.index_cast %select_n3A_523 : i32 to index
      %swap3A_531 = arith.index_cast %mul3A_529 : i32 to index
      %swap3A_532 = tpu.vector_load %arg6[%swap3A_530, %swap3A_531] {strides = array<i32>} : memref<16x128xi32, #tpu.memory_space<vmem>>, vector<16xi32>,
      tpu.vector_store %arg6[%swap3A_530, %swap3A_531], %convert_element_type3A_524 {strides = array<i32>} : memref<16x128xi32, #tpu.memory_space<vmem>>, vector<16xi32>,
      %scan3A_533 = arith.constant 0 : i32
      scf.yield %scan3A_533 : i32
    }
    %scan3A_39 = arith.constant 125 : i32
    %mul3A_40 = arith.constant 48 : i32
    %mul3A_41 = arith.muli %add3A, %mul3A_40 : i32
    %add3A_42 = arith.constant 80000 : i32
    %add3A_43 = arith.addi %add3A_42, %mul3A_41 : i32
    %add3A_44 = arith.constant 0 : i32
    %add3A_45 = arith.addi %add3A_43, %add3A_44 : i32
    %add3A_46 = vector.broadcast %add3A_45 : i32 to vector<16xi32>
    %add3A_47 = arith.addi %add3A_46, %iota3A : vector<16xi32>
    %swap3A = arith.constant 15 : i32
    %swap3A_48 = arith.index_cast %swap3A : i32 to index
    %swap3A_49 = arith.constant 80 : index
    %swap3A_50 = tpu.vector_load %arg6[%swap3A_48, %swap3A_49] {strides = array<i32>} : memref<16x128xi32, #tpu.memory_space<vmem>>, vector<16xi32>,
    tpu.vector_store %arg6[%swap3A_48, %swap3A_49], %add3A_47 {strides = array<i32>} : memref<16x128xi32, #tpu.memory_space<vmem>>, vector<16xi32>,
    %mul3A_51 = arith.constant 48 : i32
    %mul3A_52 = arith.muli %add3A, %mul3A_51 : i32
    %add3A_53 = arith.constant 80000 : i32
    %add3A_54 = arith.addi %add3A_53, %mul3A_52 : i32
    %add3A_55 = arith.constant 16 : i32
    %add3A_56 = arith.addi %add3A_54, %add3A_55 : i32
    %add3A_57 = vector.broadcast %add3A_56 : i32 to vector<16xi32>
    %add3A_58 = arith.addi %add3A_57, %iota3A : vector<16xi32>
    %swap3A_59 = arith.constant 15 : i32
    %swap3A_60 = arith.index_cast %swap3A_59 : i32 to index
    %swap3A_61 = arith.constant 96 : index
    %swap3A_62 = tpu.vector_load %arg6[%swap3A_60, %swap3A_61] {strides = array<i32>} : memref<16x128xi32, #tpu.memory_space<vmem>>, vector<16xi32>,
    tpu.vector_store %arg6[%swap3A_60, %swap3A_61], %add3A_58 {strides = array<i32>} : memref<16x128xi32, #tpu.memory_space<vmem>>, vector<16xi32>,
    %mul3A_63 = arith.constant 48 : i32
    %mul3A_64 = arith.muli %add3A, %mul3A_63 : i32
    %add3A_65 = arith.constant 80000 : i32
    %add3A_66 = arith.addi %add3A_65, %mul3A_64 : i32
    %add3A_67 = arith.constant 32 : i32
    %add3A_68 = arith.addi %add3A_66, %add3A_67 : i32
    %add3A_69 = vector.broadcast %add3A_68 : i32 to vector<16xi32>
    %add3A_70 = arith.addi %add3A_69, %iota3A : vector<16xi32>
    %swap3A_71 = arith.constant 15 : i32
    %swap3A_72 = arith.index_cast %swap3A_71 : i32 to index
    %swap3A_73 = arith.constant 112 : index
    %swap3A_74 = tpu.vector_load %arg6[%swap3A_72, %swap3A_73] {strides = array<i32>} : memref<16x128xi32, #tpu.memory_space<vmem>>, vector<16xi32>,
    tpu.vector_store %arg6[%swap3A_72, %swap3A_73], %add3A_70 {strides = array<i32>} : memref<16x128xi32, #tpu.memory_space<vmem>>, vector<16xi32>,
    %broadcast_in_dim3A = arith.constant 0 : i32
    %broadcast_in_dim3A_75 = vector.broadcast %broadcast_in_dim3A : i32 to vector<16xi32>
    %scan3A_76 = arith.constant 0 : i32
    %scan3A_77 = arith.constant 0 : i32
    %scan3A_78 = arith.constant 125 : i32
    %scan3A_79 = arith.addi %scan3A_77, %scan3A_78 : i32
    %scan3A_80 = arith.constant 1 : i32
    %scan3A_81 = scf.for %scan3A_469 = %scan3A_77 to %scan3A_79 step %scan3A_80 iter_args(%scan3A_470 = %scan3A_76) -> (i32)  : i32 {
      %mul3A_471 = arith.constant 16 : i32
      %mul3A_472 = arith.muli %scan3A_469, %mul3A_471 : i32
      %get3A_473 = arith.constant 0 : i32
      %get3A_474 = arith.index_cast %get3A_473 : i32 to index
      %get3A_475 = arith.index_cast %mul3A_472 : i32 to index
      %get3A_476 = tpu.vector_load %arg4[%get3A_474, %get3A_475] {strides = array<i32>} : memref<8x2000xf32, #tpu.memory_space<vmem>>, vector<16xf32>,
      %mul3A_477 = arith.constant 16 : i32
      %mul3A_478 = arith.muli %scan3A_469, %mul3A_477 : i32
      %iota3A_479 = tpu.iota {dimensions = array<i32: 0>} : vector<16xi32>
      %add3A_480 = vector.broadcast %mul3A_478 : i32 to vector<16xi32>
      %add3A_481 = arith.addi %add3A_480, %iota3A_479 : vector<16xi32>
      tpu.vector_store_idx %arg5[%add3A_481, %broadcast_in_dim3A_75], %get3A_476 : memref<2048x8xf32, #tpu.memory_space<vmem>>[vector<16xi32>, vector<16xi32>], vector<16xf32>,
      %scan3A_482 = arith.constant 0 : i32
      scf.yield %scan3A_482 : i32
    }
    %scan3A_82 = arith.constant 125 : i32
    %broadcast_in_dim3A_83 = arith.constant 1 : i32
    %broadcast_in_dim3A_84 = vector.broadcast %broadcast_in_dim3A_83 : i32 to vector<16xi32>
    %scan3A_85 = arith.constant 0 : i32
    %scan3A_86 = arith.constant 0 : i32
    %scan3A_87 = arith.constant 125 : i32
    %scan3A_88 = arith.addi %scan3A_86, %scan3A_87 : i32
    %scan3A_89 = arith.constant 1 : i32
    %scan3A_90 = scf.for %scan3A_469 = %scan3A_86 to %scan3A_88 step %scan3A_89 iter_args(%scan3A_470 = %scan3A_85) -> (i32)  : i32 {
      %mul3A_471 = arith.constant 16 : i32
      %mul3A_472 = arith.muli %scan3A_469, %mul3A_471 : i32
      %get3A_473 = arith.constant 1 : i32
      %get3A_474 = arith.index_cast %get3A_473 : i32 to index
      %get3A_475 = arith.index_cast %mul3A_472 : i32 to index
      %get3A_476 = tpu.vector_load %arg4[%get3A_474, %get3A_475] {strides = array<i32>} : memref<8x2000xf32, #tpu.memory_space<vmem>>, vector<16xf32>,
      %mul3A_477 = arith.constant 16 : i32
      %mul3A_478 = arith.muli %scan3A_469, %mul3A_477 : i32
      %iota3A_479 = tpu.iota {dimensions = array<i32: 0>} : vector<16xi32>
      %add3A_480 = vector.broadcast %mul3A_478 : i32 to vector<16xi32>
      %add3A_481 = arith.addi %add3A_480, %iota3A_479 : vector<16xi32>
      tpu.vector_store_idx %arg5[%add3A_481, %broadcast_in_dim3A_84], %get3A_476 : memref<2048x8xf32, #tpu.memory_space<vmem>>[vector<16xi32>, vector<16xi32>], vector<16xf32>,
      %scan3A_482 = arith.constant 0 : i32
      scf.yield %scan3A_482 : i32
    }
    %scan3A_91 = arith.constant 125 : i32
    %broadcast_in_dim3A_92 = arith.constant 2 : i32
    %broadcast_in_dim3A_93 = vector.broadcast %broadcast_in_dim3A_92 : i32 to vector<16xi32>
    %scan3A_94 = arith.constant 0 : i32
    %scan3A_95 = arith.constant 0 : i32
    %scan3A_96 = arith.constant 125 : i32
    %scan3A_97 = arith.addi %scan3A_95, %scan3A_96 : i32
    %scan3A_98 = arith.constant 1 : i32
    %scan3A_99 = scf.for %scan3A_469 = %scan3A_95 to %scan3A_97 step %scan3A_98 iter_args(%scan3A_470 = %scan3A_94) -> (i32)  : i32 {
      %mul3A_471 = arith.constant 16 : i32
      %mul3A_472 = arith.muli %scan3A_469, %mul3A_471 : i32
      %get3A_473 = arith.constant 2 : i32
      %get3A_474 = arith.index_cast %get3A_473 : i32 to index
      %get3A_475 = arith.index_cast %mul3A_472 : i32 to index
      %get3A_476 = tpu.vector_load %arg4[%get3A_474, %get3A_475] {strides = array<i32>} : memref<8x2000xf32, #tpu.memory_space<vmem>>, vector<16xf32>,
      %mul3A_477 = arith.constant 16 : i32
      %mul3A_478 = arith.muli %scan3A_469, %mul3A_477 : i32
      %iota3A_479 = tpu.iota {dimensions = array<i32: 0>} : vector<16xi32>
      %add3A_480 = vector.broadcast %mul3A_478 : i32 to vector<16xi32>
      %add3A_481 = arith.addi %add3A_480, %iota3A_479 : vector<16xi32>
      tpu.vector_store_idx %arg5[%add3A_481, %broadcast_in_dim3A_93], %get3A_476 : memref<2048x8xf32, #tpu.memory_space<vmem>>[vector<16xi32>, vector<16xi32>], vector<16xf32>,
      %scan3A_482 = arith.constant 0 : i32
      scf.yield %scan3A_482 : i32
    }
    %scan3A_100 = arith.constant 125 : i32
    %broadcast_in_dim3A_101 = arith.constant 3 : i32
    %broadcast_in_dim3A_102 = vector.broadcast %broadcast_in_dim3A_101 : i32 to vector<16xi32>
    %scan3A_103 = arith.constant 0 : i32
    %scan3A_104 = arith.constant 0 : i32
    %scan3A_105 = arith.constant 125 : i32
    %scan3A_106 = arith.addi %scan3A_104, %scan3A_105 : i32
    %scan3A_107 = arith.constant 1 : i32
    %scan3A_108 = scf.for %scan3A_469 = %scan3A_104 to %scan3A_106 step %scan3A_107 iter_args(%scan3A_470 = %scan3A_103) -> (i32)  : i32 {
      %mul3A_471 = arith.constant 16 : i32
      %mul3A_472 = arith.muli %scan3A_469, %mul3A_471 : i32
      %get3A_473 = arith.constant 3 : i32
      %get3A_474 = arith.index_cast %get3A_473 : i32 to index
      %get3A_475 = arith.index_cast %mul3A_472 : i32 to index
      %get3A_476 = tpu.vector_load %arg4[%get3A_474, %get3A_475] {strides = array<i32>} : memref<8x2000xf32, #tpu.memory_space<vmem>>, vector<16xf32>,
      %mul3A_477 = arith.constant 16 : i32
      %mul3A_478 = arith.muli %scan3A_469, %mul3A_477 : i32
      %iota3A_479 = tpu.iota {dimensions = array<i32: 0>} : vector<16xi32>
      %add3A_480 = vector.broadcast %mul3A_478 : i32 to vector<16xi32>
      %add3A_481 = arith.addi %add3A_480, %iota3A_479 : vector<16xi32>
      tpu.vector_store_idx %arg5[%add3A_481, %broadcast_in_dim3A_102], %get3A_476 : memref<2048x8xf32, #tpu.memory_space<vmem>>[vector<16xi32>, vector<16xi32>], vector<16xf32>,
      %scan3A_482 = arith.constant 0 : i32
      scf.yield %scan3A_482 : i32
    }
    %scan3A_109 = arith.constant 125 : i32
    %broadcast_in_dim3A_110 = arith.constant 4 : i32
    %broadcast_in_dim3A_111 = vector.broadcast %broadcast_in_dim3A_110 : i32 to vector<16xi32>
    %scan3A_112 = arith.constant 0 : i32
    %scan3A_113 = arith.constant 0 : i32
    %scan3A_114 = arith.constant 125 : i32
    %scan3A_115 = arith.addi %scan3A_113, %scan3A_114 : i32
    %scan3A_116 = arith.constant 1 : i32
    %scan3A_117 = scf.for %scan3A_469 = %scan3A_113 to %scan3A_115 step %scan3A_116 iter_args(%scan3A_470 = %scan3A_112) -> (i32)  : i32 {
      %mul3A_471 = arith.constant 16 : i32
      %mul3A_472 = arith.muli %scan3A_469, %mul3A_471 : i32
      %get3A_473 = arith.constant 4 : i32
      %get3A_474 = arith.index_cast %get3A_473 : i32 to index
      %get3A_475 = arith.index_cast %mul3A_472 : i32 to index
      %get3A_476 = tpu.vector_load %arg4[%get3A_474, %get3A_475] {strides = array<i32>} : memref<8x2000xf32, #tpu.memory_space<vmem>>, vector<16xf32>,
      %mul3A_477 = arith.constant 16 : i32
      %mul3A_478 = arith.muli %scan3A_469, %mul3A_477 : i32
      %iota3A_479 = tpu.iota {dimensions = array<i32: 0>} : vector<16xi32>
      %add3A_480 = vector.broadcast %mul3A_478 : i32 to vector<16xi32>
      %add3A_481 = arith.addi %add3A_480, %iota3A_479 : vector<16xi32>
      tpu.vector_store_idx %arg5[%add3A_481, %broadcast_in_dim3A_111], %get3A_476 : memref<2048x8xf32, #tpu.memory_space<vmem>>[vector<16xi32>, vector<16xi32>], vector<16xf32>,
      %scan3A_482 = arith.constant 0 : i32
      scf.yield %scan3A_482 : i32
    }
    %scan3A_118 = arith.constant 125 : i32
    %broadcast_in_dim3A_119 = arith.constant 5 : i32
    %broadcast_in_dim3A_120 = vector.broadcast %broadcast_in_dim3A_119 : i32 to vector<16xi32>
    %scan3A_121 = arith.constant 0 : i32
    %scan3A_122 = arith.constant 0 : i32
    %scan3A_123 = arith.constant 125 : i32
    %scan3A_124 = arith.addi %scan3A_122, %scan3A_123 : i32
    %scan3A_125 = arith.constant 1 : i32
    %scan3A_126 = scf.for %scan3A_469 = %scan3A_122 to %scan3A_124 step %scan3A_125 iter_args(%scan3A_470 = %scan3A_121) -> (i32)  : i32 {
      %mul3A_471 = arith.constant 16 : i32
      %mul3A_472 = arith.muli %scan3A_469, %mul3A_471 : i32
      %get3A_473 = arith.constant 5 : i32
      %get3A_474 = arith.index_cast %get3A_473 : i32 to index
      %get3A_475 = arith.index_cast %mul3A_472 : i32 to index
      %get3A_476 = tpu.vector_load %arg4[%get3A_474, %get3A_475] {strides = array<i32>} : memref<8x2000xf32, #tpu.memory_space<vmem>>, vector<16xf32>,
      %mul3A_477 = arith.constant 16 : i32
      %mul3A_478 = arith.muli %scan3A_469, %mul3A_477 : i32
      %iota3A_479 = tpu.iota {dimensions = array<i32: 0>} : vector<16xi32>
      %add3A_480 = vector.broadcast %mul3A_478 : i32 to vector<16xi32>
      %add3A_481 = arith.addi %add3A_480, %iota3A_479 : vector<16xi32>
      tpu.vector_store_idx %arg5[%add3A_481, %broadcast_in_dim3A_120], %get3A_476 : memref<2048x8xf32, #tpu.memory_space<vmem>>[vector<16xi32>, vector<16xi32>], vector<16xf32>,
      %scan3A_482 = arith.constant 0 : i32
      scf.yield %scan3A_482 : i32
    }
    %scan3A_127 = arith.constant 125 : i32
    %broadcast_in_dim3A_128 = arith.constant 6 : i32
    %broadcast_in_dim3A_129 = vector.broadcast %broadcast_in_dim3A_128 : i32 to vector<16xi32>
    %scan3A_130 = arith.constant 0 : i32
    %scan3A_131 = arith.constant 0 : i32
    %scan3A_132 = arith.constant 125 : i32
    %scan3A_133 = arith.addi %scan3A_131, %scan3A_132 : i32
    %scan3A_134 = arith.constant 1 : i32
    %scan3A_135 = scf.for %scan3A_469 = %scan3A_131 to %scan3A_133 step %scan3A_134 iter_args(%scan3A_470 = %scan3A_130) -> (i32)  : i32 {
      %mul3A_471 = arith.constant 16 : i32
      %mul3A_472 = arith.muli %scan3A_469, %mul3A_471 : i32
      %get3A_473 = arith.constant 6 : i32
      %get3A_474 = arith.index_cast %get3A_473 : i32 to index
      %get3A_475 = arith.index_cast %mul3A_472 : i32 to index
      %get3A_476 = tpu.vector_load %arg4[%get3A_474, %get3A_475] {strides = array<i32>} : memref<8x2000xf32, #tpu.memory_space<vmem>>, vector<16xf32>,
      %mul3A_477 = arith.constant 16 : i32
      %mul3A_478 = arith.muli %scan3A_469, %mul3A_477 : i32
      %iota3A_479 = tpu.iota {dimensions = array<i32: 0>} : vector<16xi32>
      %add3A_480 = vector.broadcast %mul3A_478 : i32 to vector<16xi32>
      %add3A_481 = arith.addi %add3A_480, %iota3A_479 : vector<16xi32>
      tpu.vector_store_idx %arg5[%add3A_481, %broadcast_in_dim3A_129], %get3A_476 : memref<2048x8xf32, #tpu.memory_space<vmem>>[vector<16xi32>, vector<16xi32>], vector<16xf32>,
      %scan3A_482 = arith.constant 0 : i32
      scf.yield %scan3A_482 : i32
    }
    %scan3A_136 = arith.constant 125 : i32
    %broadcast_in_dim3A_137 = arith.constant 7 : i32
    %broadcast_in_dim3A_138 = vector.broadcast %broadcast_in_dim3A_137 : i32 to vector<16xi32>
    %scan3A_139 = arith.constant 0 : i32
    %scan3A_140 = arith.constant 0 : i32
    %scan3A_141 = arith.constant 125 : i32
    %scan3A_142 = arith.addi %scan3A_140, %scan3A_141 : i32
    %scan3A_143 = arith.constant 1 : i32
    %scan3A_144 = scf.for %scan3A_469 = %scan3A_140 to %scan3A_142 step %scan3A_143 iter_args(%scan3A_470 = %scan3A_139) -> (i32)  : i32 {
      %mul3A_471 = arith.constant 16 : i32
      %mul3A_472 = arith.muli %scan3A_469, %mul3A_471 : i32
      %get3A_473 = arith.constant 7 : i32
      %get3A_474 = arith.index_cast %get3A_473 : i32 to index
      %get3A_475 = arith.index_cast %mul3A_472 : i32 to index
      %get3A_476 = tpu.vector_load %arg4[%get3A_474, %get3A_475] {strides = array<i32>} : memref<8x2000xf32, #tpu.memory_space<vmem>>, vector<16xf32>,
      %mul3A_477 = arith.constant 16 : i32
      %mul3A_478 = arith.muli %scan3A_469, %mul3A_477 : i32
      %iota3A_479 = tpu.iota {dimensions = array<i32: 0>} : vector<16xi32>
      %add3A_480 = vector.broadcast %mul3A_478 : i32 to vector<16xi32>
      %add3A_481 = arith.addi %add3A_480, %iota3A_479 : vector<16xi32>
      tpu.vector_store_idx %arg5[%add3A_481, %broadcast_in_dim3A_138], %get3A_476 : memref<2048x8xf32, #tpu.memory_space<vmem>>[vector<16xi32>, vector<16xi32>], vector<16xf32>,
      %scan3A_482 = arith.constant 0 : i32
      scf.yield %scan3A_482 : i32
    }
    %scan3A_145 = arith.constant 125 : i32
    %dma_start3A = arith.constant 0 : i32
    %dma_start3A_146 = arith.constant 0 : i32
    %dma_start3A_147 = arith.constant 0 : i32
    %dma_start3A_148 = tpu.memref_slice %arg5[%dma_start3A_146, %dma_start3A_147] : memref<2048x8xf32, #tpu.memory_space<vmem>> -> memref<128x8xf32, #tpu.memory_space<vmem>>
    %dma_start3A_149 = arith.constant 0 : i32
    %dma_start3A_150 = tpu.memref_slice %arg6[%dma_start3A, %dma_start3A_149] : memref<16x128xi32, #tpu.memory_space<vmem>> -> memref<1x128xi32, #tpu.memory_space<vmem>>
    %dma_start3A_151 = tpu.memref_squeeze %dma_start3A_150 : memref<1x128xi32, #tpu.memory_space<vmem>> -> memref<128xi32, #tpu.memory_space<vmem>>
    %dma_start3A_152 = arith.constant 0 : i32
    %dma_start3A_153 = arith.constant 0 : i32
    %dma_start3A_154 = tpu.memref_slice %arg3[%dma_start3A_152, %dma_start3A_153] : memref<81920x8xf32, #tpu.memory_space<hbm>> -> memref<81920x8xf32, #tpu.memory_space<hbm>>
    tpu.enqueue_indirect_dma source(%dma_start3A_148 : memref<128x8xf32, #tpu.memory_space<vmem>>) target(%dma_start3A_154 : memref<81920x8xf32, #tpu.memory_space<hbm>>) offsets(%dma_start3A_151 : memref<128xi32, #tpu.memory_space<vmem>>) semaphore(%arg8 : memref<!tpu.dma_semaphore, #tpu.memory_space<semaphore_mem>>)
    %dma_start3A_155 = arith.constant 1 : i32
    %dma_start3A_156 = arith.constant 128 : i32
    %dma_start3A_157 = arith.constant 0 : i32
    %dma_start3A_158 = tpu.memref_slice %arg5[%dma_start3A_156, %dma_start3A_157] : memref<2048x8xf32, #tpu.memory_space<vmem>> -> memref<128x8xf32, #tpu.memory_space<vmem>>
    %dma_start3A_159 = arith.constant 0 : i32
    %dma_start3A_160 = tpu.memref_slice %arg6[%dma_start3A_155, %dma_start3A_159] : memref<16x128xi32, #tpu.memory_space<vmem>> -> memref<1x128xi32, #tpu.memory_space<vmem>>
    %dma_start3A_161 = tpu.memref_squeeze %dma_start3A_160 : memref<1x128xi32, #tpu.memory_space<vmem>> -> memref<128xi32, #tpu.memory_space<vmem>>
    %dma_start3A_162 = arith.constant 0 : i32
    %dma_start3A_163 = arith.constant 0 : i32
    %dma_start3A_164 = tpu.memref_slice %arg3[%dma_start3A_162, %dma_start3A_163] : memref<81920x8xf32, #tpu.memory_space<hbm>> -> memref<81920x8xf32, #tpu.memory_space<hbm>>
    tpu.enqueue_indirect_dma source(%dma_start3A_158 : memref<128x8xf32, #tpu.memory_space<vmem>>) target(%dma_start3A_164 : memref<81920x8xf32, #tpu.memory_space<hbm>>) offsets(%dma_start3A_161 : memref<128xi32, #tpu.memory_space<vmem>>) semaphore(%arg8 : memref<!tpu.dma_semaphore, #tpu.memory_space<semaphore_mem>>)
    %dma_start3A_165 = arith.constant 2 : i32
    %dma_start3A_166 = arith.constant 256 : i32
    %dma_start3A_167 = arith.constant 0 : i32
    %dma_start3A_168 = tpu.memref_slice %arg5[%dma_start3A_166, %dma_start3A_167] : memref<2048x8xf32, #tpu.memory_space<vmem>> -> memref<128x8xf32, #tpu.memory_space<vmem>>
    %dma_start3A_169 = arith.constant 0 : i32
    %dma_start3A_170 = tpu.memref_slice %arg6[%dma_start3A_165, %dma_start3A_169] : memref<16x128xi32, #tpu.memory_space<vmem>> -> memref<1x128xi32, #tpu.memory_space<vmem>>
    %dma_start3A_171 = tpu.memref_squeeze %dma_start3A_170 : memref<1x128xi32, #tpu.memory_space<vmem>> -> memref<128xi32, #tpu.memory_space<vmem>>
    %dma_start3A_172 = arith.constant 0 : i32
    %dma_start3A_173 = arith.constant 0 : i32
    %dma_start3A_174 = tpu.memref_slice %arg3[%dma_start3A_172, %dma_start3A_173] : memref<81920x8xf32, #tpu.memory_space<hbm>> -> memref<81920x8xf32, #tpu.memory_space<hbm>>
    tpu.enqueue_indirect_dma source(%dma_start3A_168 : memref<128x8xf32, #tpu.memory_space<vmem>>) target(%dma_start3A_174 : memref<81920x8xf32, #tpu.memory_space<hbm>>) offsets(%dma_start3A_171 : memref<128xi32, #tpu.memory_space<vmem>>) semaphore(%arg8 : memref<!tpu.dma_semaphore, #tpu.memory_space<semaphore_mem>>)
    %dma_start3A_175 = arith.constant 3 : i32
    %dma_start3A_176 = arith.constant 384 : i32
    %dma_start3A_177 = arith.constant 0 : i32
    %dma_start3A_178 = tpu.memref_slice %arg5[%dma_start3A_176, %dma_start3A_177] : memref<2048x8xf32, #tpu.memory_space<vmem>> -> memref<128x8xf32, #tpu.memory_space<vmem>>
    %dma_start3A_179 = arith.constant 0 : i32
    %dma_start3A_180 = tpu.memref_slice %arg6[%dma_start3A_175, %dma_start3A_179] : memref<16x128xi32, #tpu.memory_space<vmem>> -> memref<1x128xi32, #tpu.memory_space<vmem>>
    %dma_start3A_181 = tpu.memref_squeeze %dma_start3A_180 : memref<1x128xi32, #tpu.memory_space<vmem>> -> memref<128xi32, #tpu.memory_space<vmem>>
    %dma_start3A_182 = arith.constant 0 : i32
    %dma_start3A_183 = arith.constant 0 : i32
    %dma_start3A_184 = tpu.memref_slice %arg3[%dma_start3A_182, %dma_start3A_183] : memref<81920x8xf32, #tpu.memory_space<hbm>> -> memref<81920x8xf32, #tpu.memory_space<hbm>>
    tpu.enqueue_indirect_dma source(%dma_start3A_178 : memref<128x8xf32, #tpu.memory_space<vmem>>) target(%dma_start3A_184 : memref<81920x8xf32, #tpu.memory_space<hbm>>) offsets(%dma_start3A_181 : memref<128xi32, #tpu.memory_space<vmem>>) semaphore(%arg8 : memref<!tpu.dma_semaphore, #tpu.memory_space<semaphore_mem>>)
    %dma_start3A_185 = arith.constant 4 : i32
    %dma_start3A_186 = arith.constant 512 : i32
    %dma_start3A_187 = arith.constant 0 : i32
    %dma_start3A_188 = tpu.memref_slice %arg5[%dma_start3A_186, %dma_start3A_187] : memref<2048x8xf32, #tpu.memory_space<vmem>> -> memref<128x8xf32, #tpu.memory_space<vmem>>
    %dma_start3A_189 = arith.constant 0 : i32
    %dma_start3A_190 = tpu.memref_slice %arg6[%dma_start3A_185, %dma_start3A_189] : memref<16x128xi32, #tpu.memory_space<vmem>> -> memref<1x128xi32, #tpu.memory_space<vmem>>
    %dma_start3A_191 = tpu.memref_squeeze %dma_start3A_190 : memref<1x128xi32, #tpu.memory_space<vmem>> -> memref<128xi32, #tpu.memory_space<vmem>>
    %dma_start3A_192 = arith.constant 0 : i32
    %dma_start3A_193 = arith.constant 0 : i32
    %dma_start3A_194 = tpu.memref_slice %arg3[%dma_start3A_192, %dma_start3A_193] : memref<81920x8xf32, #tpu.memory_space<hbm>> -> memref<81920x8xf32, #tpu.memory_space<hbm>>
    tpu.enqueue_indirect_dma source(%dma_start3A_188 : memref<128x8xf32, #tpu.memory_space<vmem>>) target(%dma_start3A_194 : memref<81920x8xf32, #tpu.memory_space<hbm>>) offsets(%dma_start3A_191 : memref<128xi32, #tpu.memory_space<vmem>>) semaphore(%arg8 : memref<!tpu.dma_semaphore, #tpu.memory_space<semaphore_mem>>)
    %dma_start3A_195 = arith.constant 5 : i32
    %dma_start3A_196 = arith.constant 640 : i32
    %dma_start3A_197 = arith.constant 0 : i32
    %dma_start3A_198 = tpu.memref_slice %arg5[%dma_start3A_196, %dma_start3A_197] : memref<2048x8xf32, #tpu.memory_space<vmem>> -> memref<128x8xf32, #tpu.memory_space<vmem>>
    %dma_start3A_199 = arith.constant 0 : i32
    %dma_start3A_200 = tpu.memref_slice %arg6[%dma_start3A_195, %dma_start3A_199] : memref<16x128xi32, #tpu.memory_space<vmem>> -> memref<1x128xi32, #tpu.memory_space<vmem>>
    %dma_start3A_201 = tpu.memref_squeeze %dma_start3A_200 : memref<1x128xi32, #tpu.memory_space<vmem>> -> memref<128xi32, #tpu.memory_space<vmem>>
    %dma_start3A_202 = arith.constant 0 : i32
    %dma_start3A_203 = arith.constant 0 : i32
    %dma_start3A_204 = tpu.memref_slice %arg3[%dma_start3A_202, %dma_start3A_203] : memref<81920x8xf32, #tpu.memory_space<hbm>> -> memref<81920x8xf32, #tpu.memory_space<hbm>>
    tpu.enqueue_indirect_dma source(%dma_start3A_198 : memref<128x8xf32, #tpu.memory_space<vmem>>) target(%dma_start3A_204 : memref<81920x8xf32, #tpu.memory_space<hbm>>) offsets(%dma_start3A_201 : memref<128xi32, #tpu.memory_space<vmem>>) semaphore(%arg8 : memref<!tpu.dma_semaphore, #tpu.memory_space<semaphore_mem>>)
    %dma_start3A_205 = arith.constant 6 : i32
    %dma_start3A_206 = arith.constant 768 : i32
    %dma_start3A_207 = arith.constant 0 : i32
    %dma_start3A_208 = tpu.memref_slice %arg5[%dma_start3A_206, %dma_start3A_207] : memref<2048x8xf32, #tpu.memory_space<vmem>> -> memref<128x8xf32, #tpu.memory_space<vmem>>
    %dma_start3A_209 = arith.constant 0 : i32
    %dma_start3A_210 = tpu.memref_slice %arg6[%dma_start3A_205, %dma_start3A_209] : memref<16x128xi32, #tpu.memory_space<vmem>> -> memref<1x128xi32, #tpu.memory_space<vmem>>
    %dma_start3A_211 = tpu.memref_squeeze %dma_start3A_210 : memref<1x128xi32, #tpu.memory_space<vmem>> -> memref<128xi32, #tpu.memory_space<vmem>>
    %dma_start3A_212 = arith.constant 0 : i32
    %dma_start3A_213 = arith.constant 0 : i32
    %dma_start3A_214 = tpu.memref_slice %arg3[%dma_start3A_212, %dma_start3A_213] : memref<81920x8xf32, #tpu.memory_space<hbm>> -> memref<81920x8xf32, #tpu.memory_space<hbm>>
    tpu.enqueue_indirect_dma source(%dma_start3A_208 : memref<128x8xf32, #tpu.memory_space<vmem>>) target(%dma_start3A_214 : memref<81920x8xf32, #tpu.memory_space<hbm>>) offsets(%dma_start3A_211 : memref<128xi32, #tpu.memory_space<vmem>>) semaphore(%arg8 : memref<!tpu.dma_semaphore, #tpu.memory_space<semaphore_mem>>)
    %dma_start3A_215 = arith.constant 7 : i32
    %dma_start3A_216 = arith.constant 896 : i32
    %dma_start3A_217 = arith.constant 0 : i32
    %dma_start3A_218 = tpu.memref_slice %arg5[%dma_start3A_216, %dma_start3A_217] : memref<2048x8xf32, #tpu.memory_space<vmem>> -> memref<128x8xf32, #tpu.memory_space<vmem>>
    %dma_start3A_219 = arith.constant 0 : i32
    %dma_start3A_220 = tpu.memref_slice %arg6[%dma_start3A_215, %dma_start3A_219] : memref<16x128xi32, #tpu.memory_space<vmem>> -> memref<1x128xi32, #tpu.memory_space<vmem>>
    %dma_start3A_221 = tpu.memref_squeeze %dma_start3A_220 : memref<1x128xi32, #tpu.memory_space<vmem>> -> memref<128xi32, #tpu.memory_space<vmem>>
    %dma_start3A_222 = arith.constant 0 : i32
    %dma_start3A_223 = arith.constant 0 : i32
    %dma_start3A_224 = tpu.memref_slice %arg3[%dma_start3A_222, %dma_start3A_223] : memref<81920x8xf32, #tpu.memory_space<hbm>> -> memref<81920x8xf32, #tpu.memory_space<hbm>>
    tpu.enqueue_indirect_dma source(%dma_start3A_218 : memref<128x8xf32, #tpu.memory_space<vmem>>) target(%dma_start3A_224 : memref<81920x8xf32, #tpu.memory_space<hbm>>) offsets(%dma_start3A_221 : memref<128xi32, #tpu.memory_space<vmem>>) semaphore(%arg8 : memref<!tpu.dma_semaphore, #tpu.memory_space<semaphore_mem>>)
    %dma_start3A_225 = arith.constant 8 : i32
    %dma_start3A_226 = arith.constant 1024 : i32
    %dma_start3A_227 = arith.constant 0 : i32
    %dma_start3A_228 = tpu.memref_slice %arg5[%dma_start3A_226, %dma_start3A_227] : memref<2048x8xf32, #tpu.memory_space<vmem>> -> memref<128x8xf32, #tpu.memory_space<vmem>>
    %dma_start3A_229 = arith.constant 0 : i32
    %dma_start3A_230 = tpu.memref_slice %arg6[%dma_start3A_225, %dma_start3A_229] : memref<16x128xi32, #tpu.memory_space<vmem>> -> memref<1x128xi32, #tpu.memory_space<vmem>>
    %dma_start3A_231 = tpu.memref_squeeze %dma_start3A_230 : memref<1x128xi32, #tpu.memory_space<vmem>> -> memref<128xi32, #tpu.memory_space<vmem>>
    %dma_start3A_232 = arith.constant 0 : i32
    %dma_start3A_233 = arith.constant 0 : i32
    %dma_start3A_234 = tpu.memref_slice %arg3[%dma_start3A_232, %dma_start3A_233] : memref<81920x8xf32, #tpu.memory_space<hbm>> -> memref<81920x8xf32, #tpu.memory_space<hbm>>
    tpu.enqueue_indirect_dma source(%dma_start3A_228 : memref<128x8xf32, #tpu.memory_space<vmem>>) target(%dma_start3A_234 : memref<81920x8xf32, #tpu.memory_space<hbm>>) offsets(%dma_start3A_231 : memref<128xi32, #tpu.memory_space<vmem>>) semaphore(%arg8 : memref<!tpu.dma_semaphore, #tpu.memory_space<semaphore_mem>>)
    %dma_start3A_235 = arith.constant 9 : i32
    %dma_start3A_236 = arith.constant 1152 : i32
    %dma_start3A_237 = arith.constant 0 : i32
    %dma_start3A_238 = tpu.memref_slice %arg5[%dma_start3A_236, %dma_start3A_237] : memref<2048x8xf32, #tpu.memory_space<vmem>> -> memref<128x8xf32, #tpu.memory_space<vmem>>
    %dma_start3A_239 = arith.constant 0 : i32
    %dma_start3A_240 = tpu.memref_slice %arg6[%dma_start3A_235, %dma_start3A_239] : memref<16x128xi32, #tpu.memory_space<vmem>> -> memref<1x128xi32, #tpu.memory_space<vmem>>
    %dma_start3A_241 = tpu.memref_squeeze %dma_start3A_240 : memref<1x128xi32, #tpu.memory_space<vmem>> -> memref<128xi32, #tpu.memory_space<vmem>>
    %dma_start3A_242 = arith.constant 0 : i32
    %dma_start3A_243 = arith.constant 0 : i32
    %dma_start3A_244 = tpu.memref_slice %arg3[%dma_start3A_242, %dma_start3A_243] : memref<81920x8xf32, #tpu.memory_space<hbm>> -> memref<81920x8xf32, #tpu.memory_space<hbm>>
    tpu.enqueue_indirect_dma source(%dma_start3A_238 : memref<128x8xf32, #tpu.memory_space<vmem>>) target(%dma_start3A_244 : memref<81920x8xf32, #tpu.memory_space<hbm>>) offsets(%dma_start3A_241 : memref<128xi32, #tpu.memory_space<vmem>>) semaphore(%arg8 : memref<!tpu.dma_semaphore, #tpu.memory_space<semaphore_mem>>)
    %dma_start3A_245 = arith.constant 10 : i32
    %dma_start3A_246 = arith.constant 1280 : i32
    %dma_start3A_247 = arith.constant 0 : i32
    %dma_start3A_248 = tpu.memref_slice %arg5[%dma_start3A_246, %dma_start3A_247] : memref<2048x8xf32, #tpu.memory_space<vmem>> -> memref<128x8xf32, #tpu.memory_space<vmem>>
    %dma_start3A_249 = arith.constant 0 : i32
    %dma_start3A_250 = tpu.memref_slice %arg6[%dma_start3A_245, %dma_start3A_249] : memref<16x128xi32, #tpu.memory_space<vmem>> -> memref<1x128xi32, #tpu.memory_space<vmem>>
    %dma_start3A_251 = tpu.memref_squeeze %dma_start3A_250 : memref<1x128xi32, #tpu.memory_space<vmem>> -> memref<128xi32, #tpu.memory_space<vmem>>
    %dma_start3A_252 = arith.constant 0 : i32
    %dma_start3A_253 = arith.constant 0 : i32
    %dma_start3A_254 = tpu.memref_slice %arg3[%dma_start3A_252, %dma_start3A_253] : memref<81920x8xf32, #tpu.memory_space<hbm>> -> memref<81920x8xf32, #tpu.memory_space<hbm>>
    tpu.enqueue_indirect_dma source(%dma_start3A_248 : memref<128x8xf32, #tpu.memory_space<vmem>>) target(%dma_start3A_254 : memref<81920x8xf32, #tpu.memory_space<hbm>>) offsets(%dma_start3A_251 : memref<128xi32, #tpu.memory_space<vmem>>) semaphore(%arg8 : memref<!tpu.dma_semaphore, #tpu.memory_space<semaphore_mem>>)
    %dma_start3A_255 = arith.constant 11 : i32
    %dma_start3A_256 = arith.constant 1408 : i32
    %dma_start3A_257 = arith.constant 0 : i32
    %dma_start3A_258 = tpu.memref_slice %arg5[%dma_start3A_256, %dma_start3A_257] : memref<2048x8xf32, #tpu.memory_space<vmem>> -> memref<128x8xf32, #tpu.memory_space<vmem>>
    %dma_start3A_259 = arith.constant 0 : i32
    %dma_start3A_260 = tpu.memref_slice %arg6[%dma_start3A_255, %dma_start3A_259] : memref<16x128xi32, #tpu.memory_space<vmem>> -> memref<1x128xi32, #tpu.memory_space<vmem>>
    %dma_start3A_261 = tpu.memref_squeeze %dma_start3A_260 : memref<1x128xi32, #tpu.memory_space<vmem>> -> memref<128xi32, #tpu.memory_space<vmem>>
    %dma_start3A_262 = arith.constant 0 : i32
    %dma_start3A_263 = arith.constant 0 : i32
    %dma_start3A_264 = tpu.memref_slice %arg3[%dma_start3A_262, %dma_start3A_263] : memref<81920x8xf32, #tpu.memory_space<hbm>> -> memref<81920x8xf32, #tpu.memory_space<hbm>>
    tpu.enqueue_indirect_dma source(%dma_start3A_258 : memref<128x8xf32, #tpu.memory_space<vmem>>) target(%dma_start3A_264 : memref<81920x8xf32, #tpu.memory_space<hbm>>) offsets(%dma_start3A_261 : memref<128xi32, #tpu.memory_space<vmem>>) semaphore(%arg8 : memref<!tpu.dma_semaphore, #tpu.memory_space<semaphore_mem>>)
    %dma_start3A_265 = arith.constant 12 : i32
    %dma_start3A_266 = arith.constant 1536 : i32
    %dma_start3A_267 = arith.constant 0 : i32
    %dma_start3A_268 = tpu.memref_slice %arg5[%dma_start3A_266, %dma_start3A_267] : memref<2048x8xf32, #tpu.memory_space<vmem>> -> memref<128x8xf32, #tpu.memory_space<vmem>>
    %dma_start3A_269 = arith.constant 0 : i32
    %dma_start3A_270 = tpu.memref_slice %arg6[%dma_start3A_265, %dma_start3A_269] : memref<16x128xi32, #tpu.memory_space<vmem>> -> memref<1x128xi32, #tpu.memory_space<vmem>>
    %dma_start3A_271 = tpu.memref_squeeze %dma_start3A_270 : memref<1x128xi32, #tpu.memory_space<vmem>> -> memref<128xi32, #tpu.memory_space<vmem>>
    %dma_start3A_272 = arith.constant 0 : i32
    %dma_start3A_273 = arith.constant 0 : i32
    %dma_start3A_274 = tpu.memref_slice %arg3[%dma_start3A_272, %dma_start3A_273] : memref<81920x8xf32, #tpu.memory_space<hbm>> -> memref<81920x8xf32, #tpu.memory_space<hbm>>
    tpu.enqueue_indirect_dma source(%dma_start3A_268 : memref<128x8xf32, #tpu.memory_space<vmem>>) target(%dma_start3A_274 : memref<81920x8xf32, #tpu.memory_space<hbm>>) offsets(%dma_start3A_271 : memref<128xi32, #tpu.memory_space<vmem>>) semaphore(%arg8 : memref<!tpu.dma_semaphore, #tpu.memory_space<semaphore_mem>>)
    %dma_start3A_275 = arith.constant 13 : i32
    %dma_start3A_276 = arith.constant 1664 : i32
    %dma_start3A_277 = arith.constant 0 : i32
    %dma_start3A_278 = tpu.memref_slice %arg5[%dma_start3A_276, %dma_start3A_277] : memref<2048x8xf32, #tpu.memory_space<vmem>> -> memref<128x8xf32, #tpu.memory_space<vmem>>
    %dma_start3A_279 = arith.constant 0 : i32
    %dma_start3A_280 = tpu.memref_slice %arg6[%dma_start3A_275, %dma_start3A_279] : memref<16x128xi32, #tpu.memory_space<vmem>> -> memref<1x128xi32, #tpu.memory_space<vmem>>
    %dma_start3A_281 = tpu.memref_squeeze %dma_start3A_280 : memref<1x128xi32, #tpu.memory_space<vmem>> -> memref<128xi32, #tpu.memory_space<vmem>>
    %dma_start3A_282 = arith.constant 0 : i32
    %dma_start3A_283 = arith.constant 0 : i32
    %dma_start3A_284 = tpu.memref_slice %arg3[%dma_start3A_282, %dma_start3A_283] : memref<81920x8xf32, #tpu.memory_space<hbm>> -> memref<81920x8xf32, #tpu.memory_space<hbm>>
    tpu.enqueue_indirect_dma source(%dma_start3A_278 : memref<128x8xf32, #tpu.memory_space<vmem>>) target(%dma_start3A_284 : memref<81920x8xf32, #tpu.memory_space<hbm>>) offsets(%dma_start3A_281 : memref<128xi32, #tpu.memory_space<vmem>>) semaphore(%arg8 : memref<!tpu.dma_semaphore, #tpu.memory_space<semaphore_mem>>)
    %dma_start3A_285 = arith.constant 14 : i32
    %dma_start3A_286 = arith.constant 1792 : i32
    %dma_start3A_287 = arith.constant 0 : i32
    %dma_start3A_288 = tpu.memref_slice %arg5[%dma_start3A_286, %dma_start3A_287] : memref<2048x8xf32, #tpu.memory_space<vmem>> -> memref<128x8xf32, #tpu.memory_space<vmem>>
    %dma_start3A_289 = arith.constant 0 : i32
    %dma_start3A_290 = tpu.memref_slice %arg6[%dma_start3A_285, %dma_start3A_289] : memref<16x128xi32, #tpu.memory_space<vmem>> -> memref<1x128xi32, #tpu.memory_space<vmem>>
    %dma_start3A_291 = tpu.memref_squeeze %dma_start3A_290 : memref<1x128xi32, #tpu.memory_space<vmem>> -> memref<128xi32, #tpu.memory_space<vmem>>
    %dma_start3A_292 = arith.constant 0 : i32
    %dma_start3A_293 = arith.constant 0 : i32
    %dma_start3A_294 = tpu.memref_slice %arg3[%dma_start3A_292, %dma_start3A_293] : memref<81920x8xf32, #tpu.memory_space<hbm>> -> memref<81920x8xf32, #tpu.memory_space<hbm>>
    tpu.enqueue_indirect_dma source(%dma_start3A_288 : memref<128x8xf32, #tpu.memory_space<vmem>>) target(%dma_start3A_294 : memref<81920x8xf32, #tpu.memory_space<hbm>>) offsets(%dma_start3A_291 : memref<128xi32, #tpu.memory_space<vmem>>) semaphore(%arg8 : memref<!tpu.dma_semaphore, #tpu.memory_space<semaphore_mem>>)
    %dma_start3A_295 = arith.constant 15 : i32
    %dma_start3A_296 = arith.constant 1920 : i32
    %dma_start3A_297 = arith.constant 0 : i32
    %dma_start3A_298 = tpu.memref_slice %arg5[%dma_start3A_296, %dma_start3A_297] : memref<2048x8xf32, #tpu.memory_space<vmem>> -> memref<128x8xf32, #tpu.memory_space<vmem>>
    %dma_start3A_299 = arith.constant 0 : i32
    %dma_start3A_300 = tpu.memref_slice %arg6[%dma_start3A_295, %dma_start3A_299] : memref<16x128xi32, #tpu.memory_space<vmem>> -> memref<1x128xi32, #tpu.memory_space<vmem>>
    %dma_start3A_301 = tpu.memref_squeeze %dma_start3A_300 : memref<1x128xi32, #tpu.memory_space<vmem>> -> memref<128xi32, #tpu.memory_space<vmem>>
    %dma_start3A_302 = arith.constant 0 : i32
    %dma_start3A_303 = arith.constant 0 : i32
    %dma_start3A_304 = tpu.memref_slice %arg3[%dma_start3A_302, %dma_start3A_303] : memref<81920x8xf32, #tpu.memory_space<hbm>> -> memref<81920x8xf32, #tpu.memory_space<hbm>>
    tpu.enqueue_indirect_dma source(%dma_start3A_298 : memref<128x8xf32, #tpu.memory_space<vmem>>) target(%dma_start3A_304 : memref<81920x8xf32, #tpu.memory_space<hbm>>) offsets(%dma_start3A_301 : memref<128xi32, #tpu.memory_space<vmem>>) semaphore(%arg8 : memref<!tpu.dma_semaphore, #tpu.memory_space<semaphore_mem>>)
    %dma_wait3A = arith.constant 0 : i32
    %dma_wait3A_305 = arith.constant 0 : i32
    %dma_wait3A_306 = arith.constant 0 : i32
    %dma_wait3A_307 = tpu.memref_slice %arg5[%dma_wait3A_305, %dma_wait3A_306] : memref<2048x8xf32, #tpu.memory_space<vmem>> -> memref<128x8xf32, #tpu.memory_space<vmem>>
    %dma_wait3A_308 = arith.constant 0 : i32
    %dma_wait3A_309 = tpu.memref_slice %arg6[%dma_wait3A, %dma_wait3A_308] : memref<16x128xi32, #tpu.memory_space<vmem>> -> memref<1x128xi32, #tpu.memory_space<vmem>>
    %dma_wait3A_310 = tpu.memref_squeeze %dma_wait3A_309 : memref<1x128xi32, #tpu.memory_space<vmem>> -> memref<128xi32, #tpu.memory_space<vmem>>
    %dma_wait3A_311 = arith.constant 0 : i32
    %dma_wait3A_312 = arith.constant 0 : i32
    %dma_wait3A_313 = tpu.memref_slice %arg3[%dma_wait3A_311, %dma_wait3A_312] : memref<81920x8xf32, #tpu.memory_space<hbm>> -> memref<81920x8xf32, #tpu.memory_space<hbm>>
    tpu.wait_indirect_dma semaphore(%arg8 : memref<!tpu.dma_semaphore, #tpu.memory_space<semaphore_mem>>) src(%dma_wait3A_307 : memref<128x8xf32, #tpu.memory_space<vmem>>) dst(%dma_wait3A_313 : memref<81920x8xf32, #tpu.memory_space<hbm>>)
    %dma_wait3A_314 = arith.constant 1 : i32
    %dma_wait3A_315 = arith.constant 128 : i32
    %dma_wait3A_316 = arith.constant 0 : i32
    %dma_wait3A_317 = tpu.memref_slice %arg5[%dma_wait3A_315, %dma_wait3A_316] : memref<2048x8xf32, #tpu.memory_space<vmem>> -> memref<128x8xf32, #tpu.memory_space<vmem>>
    %dma_wait3A_318 = arith.constant 0 : i32
    %dma_wait3A_319 = tpu.memref_slice %arg6[%dma_wait3A_314, %dma_wait3A_318] : memref<16x128xi32, #tpu.memory_space<vmem>> -> memref<1x128xi32, #tpu.memory_space<vmem>>
    %dma_wait3A_320 = tpu.memref_squeeze %dma_wait3A_319 : memref<1x128xi32, #tpu.memory_space<vmem>> -> memref<128xi32, #tpu.memory_space<vmem>>
    %dma_wait3A_321 = arith.constant 0 : i32
    %dma_wait3A_322 = arith.constant 0 : i32
    %dma_wait3A_323 = tpu.memref_slice %arg3[%dma_wait3A_321, %dma_wait3A_322] : memref<81920x8xf32, #tpu.memory_space<hbm>> -> memref<81920x8xf32, #tpu.memory_space<hbm>>
    tpu.wait_indirect_dma semaphore(%arg8 : memref<!tpu.dma_semaphore, #tpu.memory_space<semaphore_mem>>) src(%dma_wait3A_317 : memref<128x8xf32, #tpu.memory_space<vmem>>) dst(%dma_wait3A_323 : memref<81920x8xf32, #tpu.memory_space<hbm>>)
    %dma_wait3A_324 = arith.constant 2 : i32
    %dma_wait3A_325 = arith.constant 256 : i32
    %dma_wait3A_326 = arith.constant 0 : i32
    %dma_wait3A_327 = tpu.memref_slice %arg5[%dma_wait3A_325, %dma_wait3A_326] : memref<2048x8xf32, #tpu.memory_space<vmem>> -> memref<128x8xf32, #tpu.memory_space<vmem>>
    %dma_wait3A_328 = arith.constant 0 : i32
    %dma_wait3A_329 = tpu.memref_slice %arg6[%dma_wait3A_324, %dma_wait3A_328] : memref<16x128xi32, #tpu.memory_space<vmem>> -> memref<1x128xi32, #tpu.memory_space<vmem>>
    %dma_wait3A_330 = tpu.memref_squeeze %dma_wait3A_329 : memref<1x128xi32, #tpu.memory_space<vmem>> -> memref<128xi32, #tpu.memory_space<vmem>>
    %dma_wait3A_331 = arith.constant 0 : i32
    %dma_wait3A_332 = arith.constant 0 : i32
    %dma_wait3A_333 = tpu.memref_slice %arg3[%dma_wait3A_331, %dma_wait3A_332] : memref<81920x8xf32, #tpu.memory_space<hbm>> -> memref<81920x8xf32, #tpu.memory_space<hbm>>
    tpu.wait_indirect_dma semaphore(%arg8 : memref<!tpu.dma_semaphore, #tpu.memory_space<semaphore_mem>>) src(%dma_wait3A_327 : memref<128x8xf32, #tpu.memory_space<vmem>>) dst(%dma_wait3A_333 : memref<81920x8xf32, #tpu.memory_space<hbm>>)
    %dma_wait3A_334 = arith.constant 3 : i32
    %dma_wait3A_335 = arith.constant 384 : i32
    %dma_wait3A_336 = arith.constant 0 : i32
    %dma_wait3A_337 = tpu.memref_slice %arg5[%dma_wait3A_335, %dma_wait3A_336] : memref<2048x8xf32, #tpu.memory_space<vmem>> -> memref<128x8xf32, #tpu.memory_space<vmem>>
    %dma_wait3A_338 = arith.constant 0 : i32
    %dma_wait3A_339 = tpu.memref_slice %arg6[%dma_wait3A_334, %dma_wait3A_338] : memref<16x128xi32, #tpu.memory_space<vmem>> -> memref<1x128xi32, #tpu.memory_space<vmem>>
    %dma_wait3A_340 = tpu.memref_squeeze %dma_wait3A_339 : memref<1x128xi32, #tpu.memory_space<vmem>> -> memref<128xi32, #tpu.memory_space<vmem>>
    %dma_wait3A_341 = arith.constant 0 : i32
    %dma_wait3A_342 = arith.constant 0 : i32
    %dma_wait3A_343 = tpu.memref_slice %arg3[%dma_wait3A_341, %dma_wait3A_342] : memref<81920x8xf32, #tpu.memory_space<hbm>> -> memref<81920x8xf32, #tpu.memory_space<hbm>>
    tpu.wait_indirect_dma semaphore(%arg8 : memref<!tpu.dma_semaphore, #tpu.memory_space<semaphore_mem>>) src(%dma_wait3A_337 : memref<128x8xf32, #tpu.memory_space<vmem>>) dst(%dma_wait3A_343 : memref<81920x8xf32, #tpu.memory_space<hbm>>)
    %dma_wait3A_344 = arith.constant 4 : i32
    %dma_wait3A_345 = arith.constant 512 : i32
    %dma_wait3A_346 = arith.constant 0 : i32
    %dma_wait3A_347 = tpu.memref_slice %arg5[%dma_wait3A_345, %dma_wait3A_346] : memref<2048x8xf32, #tpu.memory_space<vmem>> -> memref<128x8xf32, #tpu.memory_space<vmem>>
    %dma_wait3A_348 = arith.constant 0 : i32
    %dma_wait3A_349 = tpu.memref_slice %arg6[%dma_wait3A_344, %dma_wait3A_348] : memref<16x128xi32, #tpu.memory_space<vmem>> -> memref<1x128xi32, #tpu.memory_space<vmem>>
    %dma_wait3A_350 = tpu.memref_squeeze %dma_wait3A_349 : memref<1x128xi32, #tpu.memory_space<vmem>> -> memref<128xi32, #tpu.memory_space<vmem>>
    %dma_wait3A_351 = arith.constant 0 : i32
    %dma_wait3A_352 = arith.constant 0 : i32
    %dma_wait3A_353 = tpu.memref_slice %arg3[%dma_wait3A_351, %dma_wait3A_352] : memref<81920x8xf32, #tpu.memory_space<hbm>> -> memref<81920x8xf32, #tpu.memory_space<hbm>>
    tpu.wait_indirect_dma semaphore(%arg8 : memref<!tpu.dma_semaphore, #tpu.memory_space<semaphore_mem>>) src(%dma_wait3A_347 : memref<128x8xf32, #tpu.memory_space<vmem>>) dst(%dma_wait3A_353 : memref<81920x8xf32, #tpu.memory_space<hbm>>)
    %dma_wait3A_354 = arith.constant 5 : i32
    %dma_wait3A_355 = arith.constant 640 : i32
    %dma_wait3A_356 = arith.constant 0 : i32
    %dma_wait3A_357 = tpu.memref_slice %arg5[%dma_wait3A_355, %dma_wait3A_356] : memref<2048x8xf32, #tpu.memory_space<vmem>> -> memref<128x8xf32, #tpu.memory_space<vmem>>
    %dma_wait3A_358 = arith.constant 0 : i32
    %dma_wait3A_359 = tpu.memref_slice %arg6[%dma_wait3A_354, %dma_wait3A_358] : memref<16x128xi32, #tpu.memory_space<vmem>> -> memref<1x128xi32, #tpu.memory_space<vmem>>
    %dma_wait3A_360 = tpu.memref_squeeze %dma_wait3A_359 : memref<1x128xi32, #tpu.memory_space<vmem>> -> memref<128xi32, #tpu.memory_space<vmem>>
    %dma_wait3A_361 = arith.constant 0 : i32
    %dma_wait3A_362 = arith.constant 0 : i32
    %dma_wait3A_363 = tpu.memref_slice %arg3[%dma_wait3A_361, %dma_wait3A_362] : memref<81920x8xf32, #tpu.memory_space<hbm>> -> memref<81920x8xf32, #tpu.memory_space<hbm>>
    tpu.wait_indirect_dma semaphore(%arg8 : memref<!tpu.dma_semaphore, #tpu.memory_space<semaphore_mem>>) src(%dma_wait3A_357 : memref<128x8xf32, #tpu.memory_space<vmem>>) dst(%dma_wait3A_363 : memref<81920x8xf32, #tpu.memory_space<hbm>>)
    %dma_wait3A_364 = arith.constant 6 : i32
    %dma_wait3A_365 = arith.constant 768 : i32
    %dma_wait3A_366 = arith.constant 0 : i32
    %dma_wait3A_367 = tpu.memref_slice %arg5[%dma_wait3A_365, %dma_wait3A_366] : memref<2048x8xf32, #tpu.memory_space<vmem>> -> memref<128x8xf32, #tpu.memory_space<vmem>>
    %dma_wait3A_368 = arith.constant 0 : i32
    %dma_wait3A_369 = tpu.memref_slice %arg6[%dma_wait3A_364, %dma_wait3A_368] : memref<16x128xi32, #tpu.memory_space<vmem>> -> memref<1x128xi32, #tpu.memory_space<vmem>>
    %dma_wait3A_370 = tpu.memref_squeeze %dma_wait3A_369 : memref<1x128xi32, #tpu.memory_space<vmem>> -> memref<128xi32, #tpu.memory_space<vmem>>
    %dma_wait3A_371 = arith.constant 0 : i32
    %dma_wait3A_372 = arith.constant 0 : i32
    %dma_wait3A_373 = tpu.memref_slice %arg3[%dma_wait3A_371, %dma_wait3A_372] : memref<81920x8xf32, #tpu.memory_space<hbm>> -> memref<81920x8xf32, #tpu.memory_space<hbm>>
    tpu.wait_indirect_dma semaphore(%arg8 : memref<!tpu.dma_semaphore, #tpu.memory_space<semaphore_mem>>) src(%dma_wait3A_367 : memref<128x8xf32, #tpu.memory_space<vmem>>) dst(%dma_wait3A_373 : memref<81920x8xf32, #tpu.memory_space<hbm>>)
    %dma_wait3A_374 = arith.constant 7 : i32
    %dma_wait3A_375 = arith.constant 896 : i32
    %dma_wait3A_376 = arith.constant 0 : i32
    %dma_wait3A_377 = tpu.memref_slice %arg5[%dma_wait3A_375, %dma_wait3A_376] : memref<2048x8xf32, #tpu.memory_space<vmem>> -> memref<128x8xf32, #tpu.memory_space<vmem>>
    %dma_wait3A_378 = arith.constant 0 : i32
    %dma_wait3A_379 = tpu.memref_slice %arg6[%dma_wait3A_374, %dma_wait3A_378] : memref<16x128xi32, #tpu.memory_space<vmem>> -> memref<1x128xi32, #tpu.memory_space<vmem>>
    %dma_wait3A_380 = tpu.memref_squeeze %dma_wait3A_379 : memref<1x128xi32, #tpu.memory_space<vmem>> -> memref<128xi32, #tpu.memory_space<vmem>>
    %dma_wait3A_381 = arith.constant 0 : i32
    %dma_wait3A_382 = arith.constant 0 : i32
    %dma_wait3A_383 = tpu.memref_slice %arg3[%dma_wait3A_381, %dma_wait3A_382] : memref<81920x8xf32, #tpu.memory_space<hbm>> -> memref<81920x8xf32, #tpu.memory_space<hbm>>
    tpu.wait_indirect_dma semaphore(%arg8 : memref<!tpu.dma_semaphore, #tpu.memory_space<semaphore_mem>>) src(%dma_wait3A_377 : memref<128x8xf32, #tpu.memory_space<vmem>>) dst(%dma_wait3A_383 : memref<81920x8xf32, #tpu.memory_space<hbm>>)
    %dma_wait3A_384 = arith.constant 8 : i32
    %dma_wait3A_385 = arith.constant 1024 : i32
    %dma_wait3A_386 = arith.constant 0 : i32
    %dma_wait3A_387 = tpu.memref_slice %arg5[%dma_wait3A_385, %dma_wait3A_386] : memref<2048x8xf32, #tpu.memory_space<vmem>> -> memref<128x8xf32, #tpu.memory_space<vmem>>
    %dma_wait3A_388 = arith.constant 0 : i32
    %dma_wait3A_389 = tpu.memref_slice %arg6[%dma_wait3A_384, %dma_wait3A_388] : memref<16x128xi32, #tpu.memory_space<vmem>> -> memref<1x128xi32, #tpu.memory_space<vmem>>
    %dma_wait3A_390 = tpu.memref_squeeze %dma_wait3A_389 : memref<1x128xi32, #tpu.memory_space<vmem>> -> memref<128xi32, #tpu.memory_space<vmem>>
    %dma_wait3A_391 = arith.constant 0 : i32
    %dma_wait3A_392 = arith.constant 0 : i32
    %dma_wait3A_393 = tpu.memref_slice %arg3[%dma_wait3A_391, %dma_wait3A_392] : memref<81920x8xf32, #tpu.memory_space<hbm>> -> memref<81920x8xf32, #tpu.memory_space<hbm>>
    tpu.wait_indirect_dma semaphore(%arg8 : memref<!tpu.dma_semaphore, #tpu.memory_space<semaphore_mem>>) src(%dma_wait3A_387 : memref<128x8xf32, #tpu.memory_space<vmem>>) dst(%dma_wait3A_393 : memref<81920x8xf32, #tpu.memory_space<hbm>>)
    %dma_wait3A_394 = arith.constant 9 : i32
    %dma_wait3A_395 = arith.constant 1152 : i32
    %dma_wait3A_396 = arith.constant 0 : i32
    %dma_wait3A_397 = tpu.memref_slice %arg5[%dma_wait3A_395, %dma_wait3A_396] : memref<2048x8xf32, #tpu.memory_space<vmem>> -> memref<128x8xf32, #tpu.memory_space<vmem>>
    %dma_wait3A_398 = arith.constant 0 : i32
    %dma_wait3A_399 = tpu.memref_slice %arg6[%dma_wait3A_394, %dma_wait3A_398] : memref<16x128xi32, #tpu.memory_space<vmem>> -> memref<1x128xi32, #tpu.memory_space<vmem>>
    %dma_wait3A_400 = tpu.memref_squeeze %dma_wait3A_399 : memref<1x128xi32, #tpu.memory_space<vmem>> -> memref<128xi32, #tpu.memory_space<vmem>>
    %dma_wait3A_401 = arith.constant 0 : i32
    %dma_wait3A_402 = arith.constant 0 : i32
    %dma_wait3A_403 = tpu.memref_slice %arg3[%dma_wait3A_401, %dma_wait3A_402] : memref<81920x8xf32, #tpu.memory_space<hbm>> -> memref<81920x8xf32, #tpu.memory_space<hbm>>
    tpu.wait_indirect_dma semaphore(%arg8 : memref<!tpu.dma_semaphore, #tpu.memory_space<semaphore_mem>>) src(%dma_wait3A_397 : memref<128x8xf32, #tpu.memory_space<vmem>>) dst(%dma_wait3A_403 : memref<81920x8xf32, #tpu.memory_space<hbm>>)
    %dma_wait3A_404 = arith.constant 10 : i32
    %dma_wait3A_405 = arith.constant 1280 : i32
    %dma_wait3A_406 = arith.constant 0 : i32
    %dma_wait3A_407 = tpu.memref_slice %arg5[%dma_wait3A_405, %dma_wait3A_406] : memref<2048x8xf32, #tpu.memory_space<vmem>> -> memref<128x8xf32, #tpu.memory_space<vmem>>
    %dma_wait3A_408 = arith.constant 0 : i32
    %dma_wait3A_409 = tpu.memref_slice %arg6[%dma_wait3A_404, %dma_wait3A_408] : memref<16x128xi32, #tpu.memory_space<vmem>> -> memref<1x128xi32, #tpu.memory_space<vmem>>
    %dma_wait3A_410 = tpu.memref_squeeze %dma_wait3A_409 : memref<1x128xi32, #tpu.memory_space<vmem>> -> memref<128xi32, #tpu.memory_space<vmem>>
    %dma_wait3A_411 = arith.constant 0 : i32
    %dma_wait3A_412 = arith.constant 0 : i32
    %dma_wait3A_413 = tpu.memref_slice %arg3[%dma_wait3A_411, %dma_wait3A_412] : memref<81920x8xf32, #tpu.memory_space<hbm>> -> memref<81920x8xf32, #tpu.memory_space<hbm>>
    tpu.wait_indirect_dma semaphore(%arg8 : memref<!tpu.dma_semaphore, #tpu.memory_space<semaphore_mem>>) src(%dma_wait3A_407 : memref<128x8xf32, #tpu.memory_space<vmem>>) dst(%dma_wait3A_413 : memref<81920x8xf32, #tpu.memory_space<hbm>>)
    %dma_wait3A_414 = arith.constant 11 : i32
    %dma_wait3A_415 = arith.constant 1408 : i32
    %dma_wait3A_416 = arith.constant 0 : i32
    %dma_wait3A_417 = tpu.memref_slice %arg5[%dma_wait3A_415, %dma_wait3A_416] : memref<2048x8xf32, #tpu.memory_space<vmem>> -> memref<128x8xf32, #tpu.memory_space<vmem>>
    %dma_wait3A_418 = arith.constant 0 : i32
    %dma_wait3A_419 = tpu.memref_slice %arg6[%dma_wait3A_414, %dma_wait3A_418] : memref<16x128xi32, #tpu.memory_space<vmem>> -> memref<1x128xi32, #tpu.memory_space<vmem>>
    %dma_wait3A_420 = tpu.memref_squeeze %dma_wait3A_419 : memref<1x128xi32, #tpu.memory_space<vmem>> -> memref<128xi32, #tpu.memory_space<vmem>>
    %dma_wait3A_421 = arith.constant 0 : i32
    %dma_wait3A_422 = arith.constant 0 : i32
    %dma_wait3A_423 = tpu.memref_slice %arg3[%dma_wait3A_421, %dma_wait3A_422] : memref<81920x8xf32, #tpu.memory_space<hbm>> -> memref<81920x8xf32, #tpu.memory_space<hbm>>
    tpu.wait_indirect_dma semaphore(%arg8 : memref<!tpu.dma_semaphore, #tpu.memory_space<semaphore_mem>>) src(%dma_wait3A_417 : memref<128x8xf32, #tpu.memory_space<vmem>>) dst(%dma_wait3A_423 : memref<81920x8xf32, #tpu.memory_space<hbm>>)
    %dma_wait3A_424 = arith.constant 12 : i32
    %dma_wait3A_425 = arith.constant 1536 : i32
    %dma_wait3A_426 = arith.constant 0 : i32
    %dma_wait3A_427 = tpu.memref_slice %arg5[%dma_wait3A_425, %dma_wait3A_426] : memref<2048x8xf32, #tpu.memory_space<vmem>> -> memref<128x8xf32, #tpu.memory_space<vmem>>
    %dma_wait3A_428 = arith.constant 0 : i32
    %dma_wait3A_429 = tpu.memref_slice %arg6[%dma_wait3A_424, %dma_wait3A_428] : memref<16x128xi32, #tpu.memory_space<vmem>> -> memref<1x128xi32, #tpu.memory_space<vmem>>
    %dma_wait3A_430 = tpu.memref_squeeze %dma_wait3A_429 : memref<1x128xi32, #tpu.memory_space<vmem>> -> memref<128xi32, #tpu.memory_space<vmem>>
    %dma_wait3A_431 = arith.constant 0 : i32
    %dma_wait3A_432 = arith.constant 0 : i32
    %dma_wait3A_433 = tpu.memref_slice %arg3[%dma_wait3A_431, %dma_wait3A_432] : memref<81920x8xf32, #tpu.memory_space<hbm>> -> memref<81920x8xf32, #tpu.memory_space<hbm>>
    tpu.wait_indirect_dma semaphore(%arg8 : memref<!tpu.dma_semaphore, #tpu.memory_space<semaphore_mem>>) src(%dma_wait3A_427 : memref<128x8xf32, #tpu.memory_space<vmem>>) dst(%dma_wait3A_433 : memref<81920x8xf32, #tpu.memory_space<hbm>>)
    %dma_wait3A_434 = arith.constant 13 : i32
    %dma_wait3A_435 = arith.constant 1664 : i32
    %dma_wait3A_436 = arith.constant 0 : i32
    %dma_wait3A_437 = tpu.memref_slice %arg5[%dma_wait3A_435, %dma_wait3A_436] : memref<2048x8xf32, #tpu.memory_space<vmem>> -> memref<128x8xf32, #tpu.memory_space<vmem>>
    %dma_wait3A_438 = arith.constant 0 : i32
    %dma_wait3A_439 = tpu.memref_slice %arg6[%dma_wait3A_434, %dma_wait3A_438] : memref<16x128xi32, #tpu.memory_space<vmem>> -> memref<1x128xi32, #tpu.memory_space<vmem>>
    %dma_wait3A_440 = tpu.memref_squeeze %dma_wait3A_439 : memref<1x128xi32, #tpu.memory_space<vmem>> -> memref<128xi32, #tpu.memory_space<vmem>>
    %dma_wait3A_441 = arith.constant 0 : i32
    %dma_wait3A_442 = arith.constant 0 : i32
    %dma_wait3A_443 = tpu.memref_slice %arg3[%dma_wait3A_441, %dma_wait3A_442] : memref<81920x8xf32, #tpu.memory_space<hbm>> -> memref<81920x8xf32, #tpu.memory_space<hbm>>
    tpu.wait_indirect_dma semaphore(%arg8 : memref<!tpu.dma_semaphore, #tpu.memory_space<semaphore_mem>>) src(%dma_wait3A_437 : memref<128x8xf32, #tpu.memory_space<vmem>>) dst(%dma_wait3A_443 : memref<81920x8xf32, #tpu.memory_space<hbm>>)
    %dma_wait3A_444 = arith.constant 14 : i32
    %dma_wait3A_445 = arith.constant 1792 : i32
    %dma_wait3A_446 = arith.constant 0 : i32
    %dma_wait3A_447 = tpu.memref_slice %arg5[%dma_wait3A_445, %dma_wait3A_446] : memref<2048x8xf32, #tpu.memory_space<vmem>> -> memref<128x8xf32, #tpu.memory_space<vmem>>
    %dma_wait3A_448 = arith.constant 0 : i32
    %dma_wait3A_449 = tpu.memref_slice %arg6[%dma_wait3A_444, %dma_wait3A_448] : memref<16x128xi32, #tpu.memory_space<vmem>> -> memref<1x128xi32, #tpu.memory_space<vmem>>
    %dma_wait3A_450 = tpu.memref_squeeze %dma_wait3A_449 : memref<1x128xi32, #tpu.memory_space<vmem>> -> memref<128xi32, #tpu.memory_space<vmem>>
    %dma_wait3A_451 = arith.constant 0 : i32
    %dma_wait3A_452 = arith.constant 0 : i32
    %dma_wait3A_453 = tpu.memref_slice %arg3[%dma_wait3A_451, %dma_wait3A_452] : memref<81920x8xf32, #tpu.memory_space<hbm>> -> memref<81920x8xf32, #tpu.memory_space<hbm>>
    tpu.wait_indirect_dma semaphore(%arg8 : memref<!tpu.dma_semaphore, #tpu.memory_space<semaphore_mem>>) src(%dma_wait3A_447 : memref<128x8xf32, #tpu.memory_space<vmem>>) dst(%dma_wait3A_453 : memref<81920x8xf32, #tpu.memory_space<hbm>>)
    %dma_wait3A_454 = arith.constant 15 : i32
    %dma_wait3A_455 = arith.constant 1920 : i32
    %dma_wait3A_456 = arith.constant 0 : i32
    %dma_wait3A_457 = tpu.memref_slice %arg5[%dma_wait3A_455, %dma_wait3A_456] : memref<2048x8xf32, #tpu.memory_space<vmem>> -> memref<128x8xf32, #tpu.memory_space<vmem>>
    %dma_wait3A_458 = arith.constant 0 : i32
    %dma_wait3A_459 = tpu.memref_slice %arg6[%dma_wait3A_454, %dma_wait3A_458] : memref<16x128xi32, #tpu.memory_space<vmem>> -> memref<1x128xi32, #tpu.memory_space<vmem>>
    %dma_wait3A_460 = tpu.memref_squeeze %dma_wait3A_459 : memref<1x128xi32, #tpu.memory_space<vmem>> -> memref<128xi32, #tpu.memory_space<vmem>>
    %dma_wait3A_461 = arith.constant 0 : i32
    %dma_wait3A_462 = arith.constant 0 : i32
    %dma_wait3A_463 = tpu.memref_slice %arg3[%dma_wait3A_461, %dma_wait3A_462] : memref<81920x8xf32, #tpu.memory_space<hbm>> -> memref<81920x8xf32, #tpu.memory_space<hbm>>
    tpu.wait_indirect_dma semaphore(%arg8 : memref<!tpu.dma_semaphore, #tpu.memory_space<semaphore_mem>>) src(%dma_wait3A_457 : memref<128x8xf32, #tpu.memory_space<vmem>>) dst(%dma_wait3A_463 : memref<81920x8xf32, #tpu.memory_space<hbm>>)
    %add3A_464 = arith.constant 32 : i32
    %add3A_465 = arith.addi %add3A, %add3A_464 : i32
    %lt3A = arith.constant 40 : i32
    %lt3A_466 = arith.cmpi slt, %add3A_465, %lt3A : i32
    %convert_element_type3A_467 = arith.extui %lt3A_466 : i1 to i32
    %cond3A = arith.constant 0 : i32
    %cond3A_468 = arith.cmpi ne, %convert_element_type3A_467, %cond3A : i32
    scf.if %cond3A_468 {
      %add3A_469 = arith.constant 32 : i32
      %add3A_470 = arith.addi %add3A, %add3A_469 : i32
      %jit3A_471 = arith.constant 10 : i32
      %div3A_472 = arith.divsi %add3A_470, %jit3A_471 : i32
      %sign3A_473 = arith.constant 0 : i32
      %sign3A_474 = arith.cmpi sgt, %add3A_470, %sign3A_473 : i32
      %sign3A_475 = arith.extui %sign3A_474 : i1 to i32
      %sign3A_476 = arith.constant 0 : i32
      %sign3A_477 = arith.cmpi slt, %add3A_470, %sign3A_476 : i32
      %sign3A_478 = arith.extui %sign3A_477 : i1 to i32
      %sign3A_479 = arith.subi %sign3A_475, %sign3A_478 : i32
      %sign3A_480 = arith.constant 0 : i32
      %sign3A_481 = arith.cmpi sgt, %jit3A_471, %sign3A_480 : i32
      %sign3A_482 = arith.extui %sign3A_481 : i1 to i32
      %sign3A_483 = arith.constant 0 : i32
      %sign3A_484 = arith.cmpi slt, %jit3A_471, %sign3A_483 : i32
      %sign3A_485 = arith.extui %sign3A_484 : i1 to i32
      %sign3A_486 = arith.subi %sign3A_482, %sign3A_485 : i32
      %ne3A_487 = arith.cmpi ne, %sign3A_479, %sign3A_486 : i32
      %rem3A_488 = arith.remsi %add3A_470, %jit3A_471 : i32
      %ne3A_489 = arith.constant 0 : i32
      %ne3A_490 = arith.cmpi ne, %rem3A_488, %ne3A_489 : i32
      %and3A_491 = arith.andi %ne3A_487, %ne3A_490 : i1
      %sub3A_492 = arith.constant 1 : i32
      %sub3A_493 = arith.subi %div3A_472, %sub3A_492 : i32
      %select_n3A_494 = arith.select %and3A_491, %sub3A_493, %div3A_472 : i32
      "tpu.region"() ({
        %run_scoped3A_951 = tpu.sem_alloc : memref<!tpu.dma_semaphore, #tpu.memory_space<semaphore_mem>>
        %dma_start3A_952 = arith.constant 0 : i32
        %dma_start3A_953 = arith.constant 0 : i32
        %dma_start3A_954 = tpu.memref_slice %arg2[%add3A_470, %dma_start3A_952, %dma_start3A_953] : memref<40x8x2000xf32, #tpu.memory_space<hbm>> -> memref<1x8x2000xf32, #tpu.memory_space<hbm>>
        %dma_start3A_955 = tpu.memref_squeeze %dma_start3A_954 : memref<1x8x2000xf32, #tpu.memory_space<hbm>> -> memref<8x2000xf32, #tpu.memory_space<hbm>>
        %dma_start3A_956 = arith.constant 0 : i32
        %dma_start3A_957 = arith.constant 0 : i32
        %dma_start3A_958 = tpu.memref_slice %arg2[%add3A_470, %dma_start3A_956, %dma_start3A_957] : memref<40x8x2000xf32, #tpu.memory_space<hbm>> -> memref<1x8x2000xf32, #tpu.memory_space<hbm>>
        %dma_start3A_959 = tpu.memref_squeeze %dma_start3A_958 : memref<1x8x2000xf32, #tpu.memory_space<hbm>> -> memref<8x2000xf32, #tpu.memory_space<hbm>>
        tpu.enqueue_dma source(%dma_start3A_959 : memref<8x2000xf32, #tpu.memory_space<hbm>>) target(%arg4 : memref<8x2000xf32, #tpu.memory_space<vmem>>) target_semaphore(%run_scoped3A_951 : memref<!tpu.dma_semaphore, #tpu.memory_space<semaphore_mem>>)
        %dma_wait3A_960 = arith.constant 0 : i32
        %dma_wait3A_961 = arith.constant 0 : i32
        %dma_wait3A_962 = tpu.memref_slice %arg2[%add3A_470, %dma_wait3A_960, %dma_wait3A_961] : memref<40x8x2000xf32, #tpu.memory_space<hbm>> -> memref<1x8x2000xf32, #tpu.memory_space<hbm>>
        %dma_wait3A_963 = tpu.memref_squeeze %dma_wait3A_962 : memref<1x8x2000xf32, #tpu.memory_space<hbm>> -> memref<8x2000xf32, #tpu.memory_space<hbm>>
        %dma_wait3A_964 = arith.constant 0 : i32
        %dma_wait3A_965 = arith.constant 0 : i32
        %dma_wait3A_966 = tpu.memref_slice %arg2[%add3A_470, %dma_wait3A_964, %dma_wait3A_965] : memref<40x8x2000xf32, #tpu.memory_space<hbm>> -> memref<1x8x2000xf32, #tpu.memory_space<hbm>>
        %dma_wait3A_967 = tpu.memref_squeeze %dma_wait3A_966 : memref<1x8x2000xf32, #tpu.memory_space<hbm>> -> memref<8x2000xf32, #tpu.memory_space<hbm>>
        tpu.wait_dma2 semaphore(%run_scoped3A_951 : memref<!tpu.dma_semaphore, #tpu.memory_space<semaphore_mem>>) src(%dma_wait3A_967 : memref<8x2000xf32, #tpu.memory_space<hbm>>) dst(%arg4 : memref<8x2000xf32, #tpu.memory_space<vmem>>)
        tpu.yield
      }) : () -> ()
      %add3A_495 = arith.constant 1 : i32
      %add3A_496 = arith.addi %select_n3A_494, %add3A_495 : i32
      %mul3A_497 = arith.constant 10 : i32
      %mul3A_498 = arith.muli %add3A_496, %mul3A_497 : i32
      %sub3A_499 = arith.constant 1 : i32
      %sub3A_500 = arith.subi %mul3A_498, %sub3A_499 : i32
      %run_scoped3A_501 = arith.constant 6 : i32
      "tpu.region"() ({
        %run_scoped3A_951 = tpu.sem_alloc : memref<!tpu.dma_semaphore, #tpu.memory_space<semaphore_mem>>
        %dma_start3A_952 = arith.constant 1984 : i32
        %dma_start3A_953 = tpu.memref_slice %arg2[%sub3A_500, %run_scoped3A_501, %dma_start3A_952] : memref<40x8x2000xf32, #tpu.memory_space<hbm>> -> memref<1x1x16xf32, #tpu.memory_space<hbm>>
        %dma_start3A_954 = tpu.memref_squeeze %dma_start3A_953 : memref<1x1x16xf32, #tpu.memory_space<hbm>> -> memref<16xf32, #tpu.memory_space<hbm>>
        %dma_start3A_955 = arith.constant 1984 : i32
        %dma_start3A_956 = tpu.memref_slice %arg2[%sub3A_500, %run_scoped3A_501, %dma_start3A_955] : memref<40x8x2000xf32, #tpu.memory_space<hbm>> -> memref<1x1x16xf32, #tpu.memory_space<hbm>>
        %dma_start3A_957 = tpu.memref_squeeze %dma_start3A_956 : memref<1x1x16xf32, #tpu.memory_space<hbm>> -> memref<16xf32, #tpu.memory_space<hbm>>
        tpu.enqueue_dma source(%dma_start3A_957 : memref<16xf32, #tpu.memory_space<hbm>>) target(%arg7 : memref<16xf32, #tpu.memory_space<vmem>>) target_semaphore(%run_scoped3A_951 : memref<!tpu.dma_semaphore, #tpu.memory_space<semaphore_mem>>)
        %dma_wait3A_958 = arith.constant 1984 : i32
        %dma_wait3A_959 = tpu.memref_slice %arg2[%sub3A_500, %run_scoped3A_501, %dma_wait3A_958] : memref<40x8x2000xf32, #tpu.memory_space<hbm>> -> memref<1x1x16xf32, #tpu.memory_space<hbm>>
        %dma_wait3A_960 = tpu.memref_squeeze %dma_wait3A_959 : memref<1x1x16xf32, #tpu.memory_space<hbm>> -> memref<16xf32, #tpu.memory_space<hbm>>
        %dma_wait3A_961 = arith.constant 1984 : i32
        %dma_wait3A_962 = tpu.memref_slice %arg2[%sub3A_500, %run_scoped3A_501, %dma_wait3A_961] : memref<40x8x2000xf32, #tpu.memory_space<hbm>> -> memref<1x1x16xf32, #tpu.memory_space<hbm>>
        %dma_wait3A_963 = tpu.memref_squeeze %dma_wait3A_962 : memref<1x1x16xf32, #tpu.memory_space<hbm>> -> memref<16xf32, #tpu.memory_space<hbm>>
        tpu.wait_dma2 semaphore(%run_scoped3A_951 : memref<!tpu.dma_semaphore, #tpu.memory_space<semaphore_mem>>) src(%dma_wait3A_963 : memref<16xf32, #tpu.memory_space<hbm>>) dst(%arg7 : memref<16xf32, #tpu.memory_space<vmem>>)
        tpu.yield
      }) : () -> ()
      %get3A_502 = arith.constant 0 : index
      %get3A_503 = tpu.vector_load %arg7[%get3A_502] {strides = array<i32>} : memref<16xf32, #tpu.memory_space<vmem>>, vector<16xf32>,
      %reduce_max3A_504 = arith.constant true
      %reduce_max3A_505 = vector.broadcast %reduce_max3A_504 : i1 to vector<16xi1>
      %reduce_max3A_506 = tpu.scan <max>, %get3A_503 masked %reduce_max3A_505 : vector<16xf32>, vector<16xi1> -> vector<16xf32>
      %reduce_max3A_507 = vector.extract %reduce_max3A_506[15] : f32 from vector<16xf32>
      %mul3A_508 = arith.constant 10 : i32
      %mul3A_509 = arith.muli %select_n3A_494, %mul3A_508 : i32
      %sub3A_510 = arith.subi %add3A_470, %mul3A_509 : i32
      %mul3A_511 = arith.constant 2000 : i32
      %mul3A_512 = arith.muli %sub3A_510, %mul3A_511 : i32
      %mul3A_513 = arith.constant 20000 : i32
      %mul3A_514 = arith.muli %select_n3A_494, %mul3A_513 : i32
      %convert_element_type3A_515 = arith.sitofp %mul3A_514 : i32 to f32
      %scan3A_516 = arith.constant 0 : i32
      %scan3A_517 = arith.constant 0 : i32
      %scan3A_518 = arith.constant 125 : i32
      %scan3A_519 = arith.addi %scan3A_517, %scan3A_518 : i32
      %scan3A_520 = arith.constant 1 : i32
      %scan3A_521 = scf.for %scan3A_951 = %scan3A_517 to %scan3A_519 step %scan3A_520 iter_args(%scan3A_952 = %scan3A_516) -> (i32)  : i32 {
        %mul3A_953 = arith.constant 16 : i32
        %mul3A_954 = arith.muli %scan3A_951, %mul3A_953 : i32
        %get3A_955 = arith.constant 6 : i32
        %get3A_956 = arith.index_cast %get3A_955 : i32 to index
        %get3A_957 = arith.index_cast %mul3A_954 : i32 to index
        %get3A_958 = tpu.vector_load %arg4[%get3A_956, %get3A_957] {strides = array<i32>} : memref<8x2000xf32, #tpu.memory_space<vmem>>, vector<16xf32>,
        %mul3A_959 = arith.constant 16 : i32
        %mul3A_960 = arith.muli %scan3A_951, %mul3A_959 : i32
        %get3A_961 = arith.constant 7 : i32
        %get3A_962 = arith.index_cast %get3A_961 : i32 to index
        %get3A_963 = arith.index_cast %mul3A_960 : i32 to index
        %get3A_964 = tpu.vector_load %arg4[%get3A_962, %get3A_963] {strides = array<i32>} : memref<8x2000xf32, #tpu.memory_space<vmem>>, vector<16xf32>,
        %mul3A_965 = arith.constant 16 : i32
        %mul3A_966 = arith.muli %scan3A_951, %mul3A_965 : i32
        %add3A_967 = arith.addi %mul3A_512, %mul3A_966 : i32
        %add3A_968 = vector.broadcast %add3A_967 : i32 to vector<16xi32>
        %add3A_969 = arith.addi %add3A_968, %iota3A : vector<16xi32>
        %convert_element_type3A_970 = arith.sitofp %add3A_969 : vector<16xi32> to vector<16xf32>
        %gt3A = arith.constant 0.000000e+00 : f32
        %gt3A_971 = vector.broadcast %gt3A : f32 to vector<16xf32>
        %gt3A_972 = arith.cmpf ogt, %get3A_964, %gt3A_971 : vector<16xf32>
        %sub3A_973 = arith.constant 1.000000e+00 : f32
        %sub3A_974 = vector.broadcast %sub3A_973 : f32 to vector<16xf32>
        %sub3A_975 = arith.subf %get3A_958, %sub3A_974 : vector<16xf32>
        %add3A_976 = vector.broadcast %reduce_max3A_507 : f32 to vector<16xf32>
        %add3A_977 = arith.addf %add3A_976, %convert_element_type3A_970 : vector<16xf32>
        %sub3A_978 = arith.subf %add3A_977, %get3A_958 : vector<16xf32>
        %select_n3A_979 = arith.select %gt3A_972, %sub3A_975, %sub3A_978 : vector<16xi1>, vector<16xf32>
        %add3A_980 = vector.broadcast %convert_element_type3A_515 : f32 to vector<16xf32>
        %add3A_981 = arith.addf %select_n3A_979, %add3A_980 : vector<16xf32>
        %jit3A_982 = arith.constant 8 : i32
        %div3A_983 = arith.divsi %scan3A_951, %jit3A_982 : i32
        %sign3A_984 = arith.constant 0 : i32
        %sign3A_985 = arith.cmpi sgt, %scan3A_951, %sign3A_984 : i32
        %sign3A_986 = arith.extui %sign3A_985 : i1 to i32
        %sign3A_987 = arith.constant 0 : i32
        %sign3A_988 = arith.cmpi slt, %scan3A_951, %sign3A_987 : i32
        %sign3A_989 = arith.extui %sign3A_988 : i1 to i32
        %sign3A_990 = arith.subi %sign3A_986, %sign3A_989 : i32
        %sign3A_991 = arith.constant 0 : i32
        %sign3A_992 = arith.cmpi sgt, %jit3A_982, %sign3A_991 : i32
        %sign3A_993 = arith.extui %sign3A_992 : i1 to i32
        %sign3A_994 = arith.constant 0 : i32
        %sign3A_995 = arith.cmpi slt, %jit3A_982, %sign3A_994 : i32
        %sign3A_996 = arith.extui %sign3A_995 : i1 to i32
        %sign3A_997 = arith.subi %sign3A_993, %sign3A_996 : i32
        %ne3A_998 = arith.cmpi ne, %sign3A_990, %sign3A_997 : i32
        %rem3A_999 = arith.remsi %scan3A_951, %jit3A_982 : i32
        %ne3A_1000 = arith.constant 0 : i32
        %ne3A_1001 = arith.cmpi ne, %rem3A_999, %ne3A_1000 : i32
        %and3A_1002 = arith.andi %ne3A_998, %ne3A_1001 : i1
        %sub3A_1003 = arith.constant 1 : i32
        %sub3A_1004 = arith.subi %div3A_983, %sub3A_1003 : i32
        %select_n3A_1005 = arith.select %and3A_1002, %sub3A_1004, %div3A_983 : i32
        %convert_element_type3A_1006 = arith.fptosi %add3A_981 : vector<16xf32> to vector<16xi32>
        %mul3A_1007 = arith.constant 8 : i32
        %mul3A_1008 = arith.muli %select_n3A_1005, %mul3A_1007 : i32
        %sub3A_1009 = arith.subi %scan3A_951, %mul3A_1008 : i32
        %mul3A_1010 = arith.constant 16 : i32
        %mul3A_1011 = arith.muli %sub3A_1009, %mul3A_1010 : i32
        %swap3A_1012 = arith.index_cast %select_n3A_1005 : i32 to index
        %swap3A_1013 = arith.index_cast %mul3A_1011 : i32 to index
        %swap3A_1014 = tpu.vector_load %arg6[%swap3A_1012, %swap3A_1013] {strides = array<i32>} : memref<16x128xi32, #tpu.memory_space<vmem>>, vector<16xi32>,
        tpu.vector_store %arg6[%swap3A_1012, %swap3A_1013], %convert_element_type3A_1006 {strides = array<i32>} : memref<16x128xi32, #tpu.memory_space<vmem>>, vector<16xi32>,
        %scan3A_1015 = arith.constant 0 : i32
        scf.yield %scan3A_1015 : i32
      }
      %scan3A_522 = arith.constant 125 : i32
      %mul3A_523 = arith.constant 48 : i32
      %mul3A_524 = arith.muli %add3A_470, %mul3A_523 : i32
      %add3A_525 = arith.constant 80000 : i32
      %add3A_526 = arith.addi %add3A_525, %mul3A_524 : i32
      %add3A_527 = arith.constant 0 : i32
      %add3A_528 = arith.addi %add3A_526, %add3A_527 : i32
      %add3A_529 = vector.broadcast %add3A_528 : i32 to vector<16xi32>
      %add3A_530 = arith.addi %add3A_529, %iota3A : vector<16xi32>
      %swap3A_531 = arith.constant 15 : i32
      %swap3A_532 = arith.index_cast %swap3A_531 : i32 to index
      %swap3A_533 = arith.constant 80 : index
      %swap3A_534 = tpu.vector_load %arg6[%swap3A_532, %swap3A_533] {strides = array<i32>} : memref<16x128xi32, #tpu.memory_space<vmem>>, vector<16xi32>,
      tpu.vector_store %arg6[%swap3A_532, %swap3A_533], %add3A_530 {strides = array<i32>} : memref<16x128xi32, #tpu.memory_space<vmem>>, vector<16xi32>,
      %mul3A_535 = arith.constant 48 : i32
      %mul3A_536 = arith.muli %add3A_470, %mul3A_535 : i32
      %add3A_537 = arith.constant 80000 : i32
      %add3A_538 = arith.addi %add3A_537, %mul3A_536 : i32
      %add3A_539 = arith.constant 16 : i32
      %add3A_540 = arith.addi %add3A_538, %add3A_539 : i32
      %add3A_541 = vector.broadcast %add3A_540 : i32 to vector<16xi32>
      %add3A_542 = arith.addi %add3A_541, %iota3A : vector<16xi32>
      %swap3A_543 = arith.constant 15 : i32
      %swap3A_544 = arith.index_cast %swap3A_543 : i32 to index
      %swap3A_545 = arith.constant 96 : index
      %swap3A_546 = tpu.vector_load %arg6[%swap3A_544, %swap3A_545] {strides = array<i32>} : memref<16x128xi32, #tpu.memory_space<vmem>>, vector<16xi32>,
      tpu.vector_store %arg6[%swap3A_544, %swap3A_545], %add3A_542 {strides = array<i32>} : memref<16x128xi32, #tpu.memory_space<vmem>>, vector<16xi32>,
      %mul3A_547 = arith.constant 48 : i32
      %mul3A_548 = arith.muli %add3A_470, %mul3A_547 : i32
      %add3A_549 = arith.constant 80000 : i32
      %add3A_550 = arith.addi %add3A_549, %mul3A_548 : i32
      %add3A_551 = arith.constant 32 : i32
      %add3A_552 = arith.addi %add3A_550, %add3A_551 : i32
      %add3A_553 = vector.broadcast %add3A_552 : i32 to vector<16xi32>
      %add3A_554 = arith.addi %add3A_553, %iota3A : vector<16xi32>
      %swap3A_555 = arith.constant 15 : i32
      %swap3A_556 = arith.index_cast %swap3A_555 : i32 to index
      %swap3A_557 = arith.constant 112 : index
      %swap3A_558 = tpu.vector_load %arg6[%swap3A_556, %swap3A_557] {strides = array<i32>} : memref<16x128xi32, #tpu.memory_space<vmem>>, vector<16xi32>,
      tpu.vector_store %arg6[%swap3A_556, %swap3A_557], %add3A_554 {strides = array<i32>} : memref<16x128xi32, #tpu.memory_space<vmem>>, vector<16xi32>,
      %broadcast_in_dim3A_559 = arith.constant 0 : i32
      %broadcast_in_dim3A_560 = vector.broadcast %broadcast_in_dim3A_559 : i32 to vector<16xi32>
      %scan3A_561 = arith.constant 0 : i32
      %scan3A_562 = arith.constant 0 : i32
      %scan3A_563 = arith.constant 125 : i32
      %scan3A_564 = arith.addi %scan3A_562, %scan3A_563 : i32
      %scan3A_565 = arith.constant 1 : i32
      %scan3A_566 = scf.for %scan3A_951 = %scan3A_562 to %scan3A_564 step %scan3A_565 iter_args(%scan3A_952 = %scan3A_561) -> (i32)  : i32 {
        %mul3A_953 = arith.constant 16 : i32
        %mul3A_954 = arith.muli %scan3A_951, %mul3A_953 : i32
        %get3A_955 = arith.constant 0 : i32
        %get3A_956 = arith.index_cast %get3A_955 : i32 to index
        %get3A_957 = arith.index_cast %mul3A_954 : i32 to index
        %get3A_958 = tpu.vector_load %arg4[%get3A_956, %get3A_957] {strides = array<i32>} : memref<8x2000xf32, #tpu.memory_space<vmem>>, vector<16xf32>,
        %mul3A_959 = arith.constant 16 : i32
        %mul3A_960 = arith.muli %scan3A_951, %mul3A_959 : i32
        %iota3A_961 = tpu.iota {dimensions = array<i32: 0>} : vector<16xi32>
        %add3A_962 = vector.broadcast %mul3A_960 : i32 to vector<16xi32>
        %add3A_963 = arith.addi %add3A_962, %iota3A_961 : vector<16xi32>
        tpu.vector_store_idx %arg5[%add3A_963, %broadcast_in_dim3A_560], %get3A_958 : memref<2048x8xf32, #tpu.memory_space<vmem>>[vector<16xi32>, vector<16xi32>], vector<16xf32>,
        %scan3A_964 = arith.constant 0 : i32
        scf.yield %scan3A_964 : i32
      }
      %scan3A_567 = arith.constant 125 : i32
      %broadcast_in_dim3A_568 = arith.constant 1 : i32
      %broadcast_in_dim3A_569 = vector.broadcast %broadcast_in_dim3A_568 : i32 to vector<16xi32>
      %scan3A_570 = arith.constant 0 : i32
      %scan3A_571 = arith.constant 0 : i32
      %scan3A_572 = arith.constant 125 : i32
      %scan3A_573 = arith.addi %scan3A_571, %scan3A_572 : i32
      %scan3A_574 = arith.constant 1 : i32
      %scan3A_575 = scf.for %scan3A_951 = %scan3A_571 to %scan3A_573 step %scan3A_574 iter_args(%scan3A_952 = %scan3A_570) -> (i32)  : i32 {
        %mul3A_953 = arith.constant 16 : i32
        %mul3A_954 = arith.muli %scan3A_951, %mul3A_953 : i32
        %get3A_955 = arith.constant 1 : i32
        %get3A_956 = arith.index_cast %get3A_955 : i32 to index
        %get3A_957 = arith.index_cast %mul3A_954 : i32 to index
        %get3A_958 = tpu.vector_load %arg4[%get3A_956, %get3A_957] {strides = array<i32>} : memref<8x2000xf32, #tpu.memory_space<vmem>>, vector<16xf32>,
        %mul3A_959 = arith.constant 16 : i32
        %mul3A_960 = arith.muli %scan3A_951, %mul3A_959 : i32
        %iota3A_961 = tpu.iota {dimensions = array<i32: 0>} : vector<16xi32>
        %add3A_962 = vector.broadcast %mul3A_960 : i32 to vector<16xi32>
        %add3A_963 = arith.addi %add3A_962, %iota3A_961 : vector<16xi32>
        tpu.vector_store_idx %arg5[%add3A_963, %broadcast_in_dim3A_569], %get3A_958 : memref<2048x8xf32, #tpu.memory_space<vmem>>[vector<16xi32>, vector<16xi32>], vector<16xf32>,
        %scan3A_964 = arith.constant 0 : i32
        scf.yield %scan3A_964 : i32
      }
      %scan3A_576 = arith.constant 125 : i32
      %broadcast_in_dim3A_577 = arith.constant 2 : i32
      %broadcast_in_dim3A_578 = vector.broadcast %broadcast_in_dim3A_577 : i32 to vector<16xi32>
      %scan3A_579 = arith.constant 0 : i32
      %scan3A_580 = arith.constant 0 : i32
      %scan3A_581 = arith.constant 125 : i32
      %scan3A_582 = arith.addi %scan3A_580, %scan3A_581 : i32
      %scan3A_583 = arith.constant 1 : i32
      %scan3A_584 = scf.for %scan3A_951 = %scan3A_580 to %scan3A_582 step %scan3A_583 iter_args(%scan3A_952 = %scan3A_579) -> (i32)  : i32 {
        %mul3A_953 = arith.constant 16 : i32
        %mul3A_954 = arith.muli %scan3A_951, %mul3A_953 : i32
        %get3A_955 = arith.constant 2 : i32
        %get3A_956 = arith.index_cast %get3A_955 : i32 to index
        %get3A_957 = arith.index_cast %mul3A_954 : i32 to index
        %get3A_958 = tpu.vector_load %arg4[%get3A_956, %get3A_957] {strides = array<i32>} : memref<8x2000xf32, #tpu.memory_space<vmem>>, vector<16xf32>,
        %mul3A_959 = arith.constant 16 : i32
        %mul3A_960 = arith.muli %scan3A_951, %mul3A_959 : i32
        %iota3A_961 = tpu.iota {dimensions = array<i32: 0>} : vector<16xi32>
        %add3A_962 = vector.broadcast %mul3A_960 : i32 to vector<16xi32>
        %add3A_963 = arith.addi %add3A_962, %iota3A_961 : vector<16xi32>
        tpu.vector_store_idx %arg5[%add3A_963, %broadcast_in_dim3A_578], %get3A_958 : memref<2048x8xf32, #tpu.memory_space<vmem>>[vector<16xi32>, vector<16xi32>], vector<16xf32>,
        %scan3A_964 = arith.constant 0 : i32
        scf.yield %scan3A_964 : i32
      }
      %scan3A_585 = arith.constant 125 : i32
      %broadcast_in_dim3A_586 = arith.constant 3 : i32
      %broadcast_in_dim3A_587 = vector.broadcast %broadcast_in_dim3A_586 : i32 to vector<16xi32>
      %scan3A_588 = arith.constant 0 : i32
      %scan3A_589 = arith.constant 0 : i32
      %scan3A_590 = arith.constant 125 : i32
      %scan3A_591 = arith.addi %scan3A_589, %scan3A_590 : i32
      %scan3A_592 = arith.constant 1 : i32
      %scan3A_593 = scf.for %scan3A_951 = %scan3A_589 to %scan3A_591 step %scan3A_592 iter_args(%scan3A_952 = %scan3A_588) -> (i32)  : i32 {
        %mul3A_953 = arith.constant 16 : i32
        %mul3A_954 = arith.muli %scan3A_951, %mul3A_953 : i32
        %get3A_955 = arith.constant 3 : i32
        %get3A_956 = arith.index_cast %get3A_955 : i32 to index
        %get3A_957 = arith.index_cast %mul3A_954 : i32 to index
        %get3A_958 = tpu.vector_load %arg4[%get3A_956, %get3A_957] {strides = array<i32>} : memref<8x2000xf32, #tpu.memory_space<vmem>>, vector<16xf32>,
        %mul3A_959 = arith.constant 16 : i32
        %mul3A_960 = arith.muli %scan3A_951, %mul3A_959 : i32
        %iota3A_961 = tpu.iota {dimensions = array<i32: 0>} : vector<16xi32>
        %add3A_962 = vector.broadcast %mul3A_960 : i32 to vector<16xi32>
        %add3A_963 = arith.addi %add3A_962, %iota3A_961 : vector<16xi32>
        tpu.vector_store_idx %arg5[%add3A_963, %broadcast_in_dim3A_587], %get3A_958 : memref<2048x8xf32, #tpu.memory_space<vmem>>[vector<16xi32>, vector<16xi32>], vector<16xf32>,
        %scan3A_964 = arith.constant 0 : i32
        scf.yield %scan3A_964 : i32
      }
      %scan3A_594 = arith.constant 125 : i32
      %broadcast_in_dim3A_595 = arith.constant 4 : i32
      %broadcast_in_dim3A_596 = vector.broadcast %broadcast_in_dim3A_595 : i32 to vector<16xi32>
      %scan3A_597 = arith.constant 0 : i32
      %scan3A_598 = arith.constant 0 : i32
      %scan3A_599 = arith.constant 125 : i32
      %scan3A_600 = arith.addi %scan3A_598, %scan3A_599 : i32
      %scan3A_601 = arith.constant 1 : i32
      %scan3A_602 = scf.for %scan3A_951 = %scan3A_598 to %scan3A_600 step %scan3A_601 iter_args(%scan3A_952 = %scan3A_597) -> (i32)  : i32 {
        %mul3A_953 = arith.constant 16 : i32
        %mul3A_954 = arith.muli %scan3A_951, %mul3A_953 : i32
        %get3A_955 = arith.constant 4 : i32
        %get3A_956 = arith.index_cast %get3A_955 : i32 to index
        %get3A_957 = arith.index_cast %mul3A_954 : i32 to index
        %get3A_958 = tpu.vector_load %arg4[%get3A_956, %get3A_957] {strides = array<i32>} : memref<8x2000xf32, #tpu.memory_space<vmem>>, vector<16xf32>,
        %mul3A_959 = arith.constant 16 : i32
        %mul3A_960 = arith.muli %scan3A_951, %mul3A_959 : i32
        %iota3A_961 = tpu.iota {dimensions = array<i32: 0>} : vector<16xi32>
        %add3A_962 = vector.broadcast %mul3A_960 : i32 to vector<16xi32>
        %add3A_963 = arith.addi %add3A_962, %iota3A_961 : vector<16xi32>
        tpu.vector_store_idx %arg5[%add3A_963, %broadcast_in_dim3A_596], %get3A_958 : memref<2048x8xf32, #tpu.memory_space<vmem>>[vector<16xi32>, vector<16xi32>], vector<16xf32>,
        %scan3A_964 = arith.constant 0 : i32
        scf.yield %scan3A_964 : i32
      }
      %scan3A_603 = arith.constant 125 : i32
      %broadcast_in_dim3A_604 = arith.constant 5 : i32
      %broadcast_in_dim3A_605 = vector.broadcast %broadcast_in_dim3A_604 : i32 to vector<16xi32>
      %scan3A_606 = arith.constant 0 : i32
      %scan3A_607 = arith.constant 0 : i32
      %scan3A_608 = arith.constant 125 : i32
      %scan3A_609 = arith.addi %scan3A_607, %scan3A_608 : i32
      %scan3A_610 = arith.constant 1 : i32
      %scan3A_611 = scf.for %scan3A_951 = %scan3A_607 to %scan3A_609 step %scan3A_610 iter_args(%scan3A_952 = %scan3A_606) -> (i32)  : i32 {
        %mul3A_953 = arith.constant 16 : i32
        %mul3A_954 = arith.muli %scan3A_951, %mul3A_953 : i32
        %get3A_955 = arith.constant 5 : i32
        %get3A_956 = arith.index_cast %get3A_955 : i32 to index
        %get3A_957 = arith.index_cast %mul3A_954 : i32 to index
        %get3A_958 = tpu.vector_load %arg4[%get3A_956, %get3A_957] {strides = array<i32>} : memref<8x2000xf32, #tpu.memory_space<vmem>>, vector<16xf32>,
        %mul3A_959 = arith.constant 16 : i32
        %mul3A_960 = arith.muli %scan3A_951, %mul3A_959 : i32
        %iota3A_961 = tpu.iota {dimensions = array<i32: 0>} : vector<16xi32>
        %add3A_962 = vector.broadcast %mul3A_960 : i32 to vector<16xi32>
        %add3A_963 = arith.addi %add3A_962, %iota3A_961 : vector<16xi32>
        tpu.vector_store_idx %arg5[%add3A_963, %broadcast_in_dim3A_605], %get3A_958 : memref<2048x8xf32, #tpu.memory_space<vmem>>[vector<16xi32>, vector<16xi32>], vector<16xf32>,
        %scan3A_964 = arith.constant 0 : i32
        scf.yield %scan3A_964 : i32
      }
      %scan3A_612 = arith.constant 125 : i32
      %broadcast_in_dim3A_613 = arith.constant 6 : i32
      %broadcast_in_dim3A_614 = vector.broadcast %broadcast_in_dim3A_613 : i32 to vector<16xi32>
      %scan3A_615 = arith.constant 0 : i32
      %scan3A_616 = arith.constant 0 : i32
      %scan3A_617 = arith.constant 125 : i32
      %scan3A_618 = arith.addi %scan3A_616, %scan3A_617 : i32
      %scan3A_619 = arith.constant 1 : i32
      %scan3A_620 = scf.for %scan3A_951 = %scan3A_616 to %scan3A_618 step %scan3A_619 iter_args(%scan3A_952 = %scan3A_615) -> (i32)  : i32 {
        %mul3A_953 = arith.constant 16 : i32
        %mul3A_954 = arith.muli %scan3A_951, %mul3A_953 : i32
        %get3A_955 = arith.constant 6 : i32
        %get3A_956 = arith.index_cast %get3A_955 : i32 to index
        %get3A_957 = arith.index_cast %mul3A_954 : i32 to index
        %get3A_958 = tpu.vector_load %arg4[%get3A_956, %get3A_957] {strides = array<i32>} : memref<8x2000xf32, #tpu.memory_space<vmem>>, vector<16xf32>,
        %mul3A_959 = arith.constant 16 : i32
        %mul3A_960 = arith.muli %scan3A_951, %mul3A_959 : i32
        %iota3A_961 = tpu.iota {dimensions = array<i32: 0>} : vector<16xi32>
        %add3A_962 = vector.broadcast %mul3A_960 : i32 to vector<16xi32>
        %add3A_963 = arith.addi %add3A_962, %iota3A_961 : vector<16xi32>
        tpu.vector_store_idx %arg5[%add3A_963, %broadcast_in_dim3A_614], %get3A_958 : memref<2048x8xf32, #tpu.memory_space<vmem>>[vector<16xi32>, vector<16xi32>], vector<16xf32>,
        %scan3A_964 = arith.constant 0 : i32
        scf.yield %scan3A_964 : i32
      }
      %scan3A_621 = arith.constant 125 : i32
      %broadcast_in_dim3A_622 = arith.constant 7 : i32
      %broadcast_in_dim3A_623 = vector.broadcast %broadcast_in_dim3A_622 : i32 to vector<16xi32>
      %scan3A_624 = arith.constant 0 : i32
      %scan3A_625 = arith.constant 0 : i32
      %scan3A_626 = arith.constant 125 : i32
      %scan3A_627 = arith.addi %scan3A_625, %scan3A_626 : i32
      %scan3A_628 = arith.constant 1 : i32
      %scan3A_629 = scf.for %scan3A_951 = %scan3A_625 to %scan3A_627 step %scan3A_628 iter_args(%scan3A_952 = %scan3A_624) -> (i32)  : i32 {
        %mul3A_953 = arith.constant 16 : i32
        %mul3A_954 = arith.muli %scan3A_951, %mul3A_953 : i32
        %get3A_955 = arith.constant 7 : i32
        %get3A_956 = arith.index_cast %get3A_955 : i32 to index
        %get3A_957 = arith.index_cast %mul3A_954 : i32 to index
        %get3A_958 = tpu.vector_load %arg4[%get3A_956, %get3A_957] {strides = array<i32>} : memref<8x2000xf32, #tpu.memory_space<vmem>>, vector<16xf32>,
        %mul3A_959 = arith.constant 16 : i32
        %mul3A_960 = arith.muli %scan3A_951, %mul3A_959 : i32
        %iota3A_961 = tpu.iota {dimensions = array<i32: 0>} : vector<16xi32>
        %add3A_962 = vector.broadcast %mul3A_960 : i32 to vector<16xi32>
        %add3A_963 = arith.addi %add3A_962, %iota3A_961 : vector<16xi32>
        tpu.vector_store_idx %arg5[%add3A_963, %broadcast_in_dim3A_623], %get3A_958 : memref<2048x8xf32, #tpu.memory_space<vmem>>[vector<16xi32>, vector<16xi32>], vector<16xf32>,
        %scan3A_964 = arith.constant 0 : i32
        scf.yield %scan3A_964 : i32
      }
      %scan3A_630 = arith.constant 125 : i32
      %dma_start3A_631 = arith.constant 0 : i32
      %dma_start3A_632 = arith.constant 0 : i32
      %dma_start3A_633 = arith.constant 0 : i32
      %dma_start3A_634 = tpu.memref_slice %arg5[%dma_start3A_632, %dma_start3A_633] : memref<2048x8xf32, #tpu.memory_space<vmem>> -> memref<128x8xf32, #tpu.memory_space<vmem>>
      %dma_start3A_635 = arith.constant 0 : i32
      %dma_start3A_636 = tpu.memref_slice %arg6[%dma_start3A_631, %dma_start3A_635] : memref<16x128xi32, #tpu.memory_space<vmem>> -> memref<1x128xi32, #tpu.memory_space<vmem>>
      %dma_start3A_637 = tpu.memref_squeeze %dma_start3A_636 : memref<1x128xi32, #tpu.memory_space<vmem>> -> memref<128xi32, #tpu.memory_space<vmem>>
      %dma_start3A_638 = arith.constant 0 : i32
      %dma_start3A_639 = arith.constant 0 : i32
      %dma_start3A_640 = tpu.memref_slice %arg3[%dma_start3A_638, %dma_start3A_639] : memref<81920x8xf32, #tpu.memory_space<hbm>> -> memref<81920x8xf32, #tpu.memory_space<hbm>>
      tpu.enqueue_indirect_dma source(%dma_start3A_634 : memref<128x8xf32, #tpu.memory_space<vmem>>) target(%dma_start3A_640 : memref<81920x8xf32, #tpu.memory_space<hbm>>) offsets(%dma_start3A_637 : memref<128xi32, #tpu.memory_space<vmem>>) semaphore(%arg8 : memref<!tpu.dma_semaphore, #tpu.memory_space<semaphore_mem>>)
      %dma_start3A_641 = arith.constant 1 : i32
      %dma_start3A_642 = arith.constant 128 : i32
      %dma_start3A_643 = arith.constant 0 : i32
      %dma_start3A_644 = tpu.memref_slice %arg5[%dma_start3A_642, %dma_start3A_643] : memref<2048x8xf32, #tpu.memory_space<vmem>> -> memref<128x8xf32, #tpu.memory_space<vmem>>
      %dma_start3A_645 = arith.constant 0 : i32
      %dma_start3A_646 = tpu.memref_slice %arg6[%dma_start3A_641, %dma_start3A_645] : memref<16x128xi32, #tpu.memory_space<vmem>> -> memref<1x128xi32, #tpu.memory_space<vmem>>
      %dma_start3A_647 = tpu.memref_squeeze %dma_start3A_646 : memref<1x128xi32, #tpu.memory_space<vmem>> -> memref<128xi32, #tpu.memory_space<vmem>>
      %dma_start3A_648 = arith.constant 0 : i32
      %dma_start3A_649 = arith.constant 0 : i32
      %dma_start3A_650 = tpu.memref_slice %arg3[%dma_start3A_648, %dma_start3A_649] : memref<81920x8xf32, #tpu.memory_space<hbm>> -> memref<81920x8xf32, #tpu.memory_space<hbm>>
      tpu.enqueue_indirect_dma source(%dma_start3A_644 : memref<128x8xf32, #tpu.memory_space<vmem>>) target(%dma_start3A_650 : memref<81920x8xf32, #tpu.memory_space<hbm>>) offsets(%dma_start3A_647 : memref<128xi32, #tpu.memory_space<vmem>>) semaphore(%arg8 : memref<!tpu.dma_semaphore, #tpu.memory_space<semaphore_mem>>)
      %dma_start3A_651 = arith.constant 2 : i32
      %dma_start3A_652 = arith.constant 256 : i32
      %dma_start3A_653 = arith.constant 0 : i32
      %dma_start3A_654 = tpu.memref_slice %arg5[%dma_start3A_652, %dma_start3A_653] : memref<2048x8xf32, #tpu.memory_space<vmem>> -> memref<128x8xf32, #tpu.memory_space<vmem>>
      %dma_start3A_655 = arith.constant 0 : i32
      %dma_start3A_656 = tpu.memref_slice %arg6[%dma_start3A_651, %dma_start3A_655] : memref<16x128xi32, #tpu.memory_space<vmem>> -> memref<1x128xi32, #tpu.memory_space<vmem>>
      %dma_start3A_657 = tpu.memref_squeeze %dma_start3A_656 : memref<1x128xi32, #tpu.memory_space<vmem>> -> memref<128xi32, #tpu.memory_space<vmem>>
      %dma_start3A_658 = arith.constant 0 : i32
      %dma_start3A_659 = arith.constant 0 : i32
      %dma_start3A_660 = tpu.memref_slice %arg3[%dma_start3A_658, %dma_start3A_659] : memref<81920x8xf32, #tpu.memory_space<hbm>> -> memref<81920x8xf32, #tpu.memory_space<hbm>>
      tpu.enqueue_indirect_dma source(%dma_start3A_654 : memref<128x8xf32, #tpu.memory_space<vmem>>) target(%dma_start3A_660 : memref<81920x8xf32, #tpu.memory_space<hbm>>) offsets(%dma_start3A_657 : memref<128xi32, #tpu.memory_space<vmem>>) semaphore(%arg8 : memref<!tpu.dma_semaphore, #tpu.memory_space<semaphore_mem>>)
      %dma_start3A_661 = arith.constant 3 : i32
      %dma_start3A_662 = arith.constant 384 : i32
      %dma_start3A_663 = arith.constant 0 : i32
      %dma_start3A_664 = tpu.memref_slice %arg5[%dma_start3A_662, %dma_start3A_663] : memref<2048x8xf32, #tpu.memory_space<vmem>> -> memref<128x8xf32, #tpu.memory_space<vmem>>
      %dma_start3A_665 = arith.constant 0 : i32
      %dma_start3A_666 = tpu.memref_slice %arg6[%dma_start3A_661, %dma_start3A_665] : memref<16x128xi32, #tpu.memory_space<vmem>> -> memref<1x128xi32, #tpu.memory_space<vmem>>
      %dma_start3A_667 = tpu.memref_squeeze %dma_start3A_666 : memref<1x128xi32, #tpu.memory_space<vmem>> -> memref<128xi32, #tpu.memory_space<vmem>>
      %dma_start3A_668 = arith.constant 0 : i32
      %dma_start3A_669 = arith.constant 0 : i32
      %dma_start3A_670 = tpu.memref_slice %arg3[%dma_start3A_668, %dma_start3A_669] : memref<81920x8xf32, #tpu.memory_space<hbm>> -> memref<81920x8xf32, #tpu.memory_space<hbm>>
      tpu.enqueue_indirect_dma source(%dma_start3A_664 : memref<128x8xf32, #tpu.memory_space<vmem>>) target(%dma_start3A_670 : memref<81920x8xf32, #tpu.memory_space<hbm>>) offsets(%dma_start3A_667 : memref<128xi32, #tpu.memory_space<vmem>>) semaphore(%arg8 : memref<!tpu.dma_semaphore, #tpu.memory_space<semaphore_mem>>)
      %dma_start3A_671 = arith.constant 4 : i32
      %dma_start3A_672 = arith.constant 512 : i32
      %dma_start3A_673 = arith.constant 0 : i32
      %dma_start3A_674 = tpu.memref_slice %arg5[%dma_start3A_672, %dma_start3A_673] : memref<2048x8xf32, #tpu.memory_space<vmem>> -> memref<128x8xf32, #tpu.memory_space<vmem>>
      %dma_start3A_675 = arith.constant 0 : i32
      %dma_start3A_676 = tpu.memref_slice %arg6[%dma_start3A_671, %dma_start3A_675] : memref<16x128xi32, #tpu.memory_space<vmem>> -> memref<1x128xi32, #tpu.memory_space<vmem>>
      %dma_start3A_677 = tpu.memref_squeeze %dma_start3A_676 : memref<1x128xi32, #tpu.memory_space<vmem>> -> memref<128xi32, #tpu.memory_space<vmem>>
      %dma_start3A_678 = arith.constant 0 : i32
      %dma_start3A_679 = arith.constant 0 : i32
      %dma_start3A_680 = tpu.memref_slice %arg3[%dma_start3A_678, %dma_start3A_679] : memref<81920x8xf32, #tpu.memory_space<hbm>> -> memref<81920x8xf32, #tpu.memory_space<hbm>>
      tpu.enqueue_indirect_dma source(%dma_start3A_674 : memref<128x8xf32, #tpu.memory_space<vmem>>) target(%dma_start3A_680 : memref<81920x8xf32, #tpu.memory_space<hbm>>) offsets(%dma_start3A_677 : memref<128xi32, #tpu.memory_space<vmem>>) semaphore(%arg8 : memref<!tpu.dma_semaphore, #tpu.memory_space<semaphore_mem>>)
      %dma_start3A_681 = arith.constant 5 : i32
      %dma_start3A_682 = arith.constant 640 : i32
      %dma_start3A_683 = arith.constant 0 : i32
      %dma_start3A_684 = tpu.memref_slice %arg5[%dma_start3A_682, %dma_start3A_683] : memref<2048x8xf32, #tpu.memory_space<vmem>> -> memref<128x8xf32, #tpu.memory_space<vmem>>
      %dma_start3A_685 = arith.constant 0 : i32
      %dma_start3A_686 = tpu.memref_slice %arg6[%dma_start3A_681, %dma_start3A_685] : memref<16x128xi32, #tpu.memory_space<vmem>> -> memref<1x128xi32, #tpu.memory_space<vmem>>
      %dma_start3A_687 = tpu.memref_squeeze %dma_start3A_686 : memref<1x128xi32, #tpu.memory_space<vmem>> -> memref<128xi32, #tpu.memory_space<vmem>>
      %dma_start3A_688 = arith.constant 0 : i32
      %dma_start3A_689 = arith.constant 0 : i32
      %dma_start3A_690 = tpu.memref_slice %arg3[%dma_start3A_688, %dma_start3A_689] : memref<81920x8xf32, #tpu.memory_space<hbm>> -> memref<81920x8xf32, #tpu.memory_space<hbm>>
      tpu.enqueue_indirect_dma source(%dma_start3A_684 : memref<128x8xf32, #tpu.memory_space<vmem>>) target(%dma_start3A_690 : memref<81920x8xf32, #tpu.memory_space<hbm>>) offsets(%dma_start3A_687 : memref<128xi32, #tpu.memory_space<vmem>>) semaphore(%arg8 : memref<!tpu.dma_semaphore, #tpu.memory_space<semaphore_mem>>)
      %dma_start3A_691 = arith.constant 6 : i32
      %dma_start3A_692 = arith.constant 768 : i32
      %dma_start3A_693 = arith.constant 0 : i32
      %dma_start3A_694 = tpu.memref_slice %arg5[%dma_start3A_692, %dma_start3A_693] : memref<2048x8xf32, #tpu.memory_space<vmem>> -> memref<128x8xf32, #tpu.memory_space<vmem>>
      %dma_start3A_695 = arith.constant 0 : i32
      %dma_start3A_696 = tpu.memref_slice %arg6[%dma_start3A_691, %dma_start3A_695] : memref<16x128xi32, #tpu.memory_space<vmem>> -> memref<1x128xi32, #tpu.memory_space<vmem>>
      %dma_start3A_697 = tpu.memref_squeeze %dma_start3A_696 : memref<1x128xi32, #tpu.memory_space<vmem>> -> memref<128xi32, #tpu.memory_space<vmem>>
      %dma_start3A_698 = arith.constant 0 : i32
      %dma_start3A_699 = arith.constant 0 : i32
      %dma_start3A_700 = tpu.memref_slice %arg3[%dma_start3A_698, %dma_start3A_699] : memref<81920x8xf32, #tpu.memory_space<hbm>> -> memref<81920x8xf32, #tpu.memory_space<hbm>>
      tpu.enqueue_indirect_dma source(%dma_start3A_694 : memref<128x8xf32, #tpu.memory_space<vmem>>) target(%dma_start3A_700 : memref<81920x8xf32, #tpu.memory_space<hbm>>) offsets(%dma_start3A_697 : memref<128xi32, #tpu.memory_space<vmem>>) semaphore(%arg8 : memref<!tpu.dma_semaphore, #tpu.memory_space<semaphore_mem>>)
      %dma_start3A_701 = arith.constant 7 : i32
      %dma_start3A_702 = arith.constant 896 : i32
      %dma_start3A_703 = arith.constant 0 : i32
      %dma_start3A_704 = tpu.memref_slice %arg5[%dma_start3A_702, %dma_start3A_703] : memref<2048x8xf32, #tpu.memory_space<vmem>> -> memref<128x8xf32, #tpu.memory_space<vmem>>
      %dma_start3A_705 = arith.constant 0 : i32
      %dma_start3A_706 = tpu.memref_slice %arg6[%dma_start3A_701, %dma_start3A_705] : memref<16x128xi32, #tpu.memory_space<vmem>> -> memref<1x128xi32, #tpu.memory_space<vmem>>
      %dma_start3A_707 = tpu.memref_squeeze %dma_start3A_706 : memref<1x128xi32, #tpu.memory_space<vmem>> -> memref<128xi32, #tpu.memory_space<vmem>>
      %dma_start3A_708 = arith.constant 0 : i32
      %dma_start3A_709 = arith.constant 0 : i32
      %dma_start3A_710 = tpu.memref_slice %arg3[%dma_start3A_708, %dma_start3A_709] : memref<81920x8xf32, #tpu.memory_space<hbm>> -> memref<81920x8xf32, #tpu.memory_space<hbm>>
      tpu.enqueue_indirect_dma source(%dma_start3A_704 : memref<128x8xf32, #tpu.memory_space<vmem>>) target(%dma_start3A_710 : memref<81920x8xf32, #tpu.memory_space<hbm>>) offsets(%dma_start3A_707 : memref<128xi32, #tpu.memory_space<vmem>>) semaphore(%arg8 : memref<!tpu.dma_semaphore, #tpu.memory_space<semaphore_mem>>)
      %dma_start3A_711 = arith.constant 8 : i32
      %dma_start3A_712 = arith.constant 1024 : i32
      %dma_start3A_713 = arith.constant 0 : i32
      %dma_start3A_714 = tpu.memref_slice %arg5[%dma_start3A_712, %dma_start3A_713] : memref<2048x8xf32, #tpu.memory_space<vmem>> -> memref<128x8xf32, #tpu.memory_space<vmem>>
      %dma_start3A_715 = arith.constant 0 : i32
      %dma_start3A_716 = tpu.memref_slice %arg6[%dma_start3A_711, %dma_start3A_715] : memref<16x128xi32, #tpu.memory_space<vmem>> -> memref<1x128xi32, #tpu.memory_space<vmem>>
      %dma_start3A_717 = tpu.memref_squeeze %dma_start3A_716 : memref<1x128xi32, #tpu.memory_space<vmem>> -> memref<128xi32, #tpu.memory_space<vmem>>
      %dma_start3A_718 = arith.constant 0 : i32
      %dma_start3A_719 = arith.constant 0 : i32
      %dma_start3A_720 = tpu.memref_slice %arg3[%dma_start3A_718, %dma_start3A_719] : memref<81920x8xf32, #tpu.memory_space<hbm>> -> memref<81920x8xf32, #tpu.memory_space<hbm>>
      tpu.enqueue_indirect_dma source(%dma_start3A_714 : memref<128x8xf32, #tpu.memory_space<vmem>>) target(%dma_start3A_720 : memref<81920x8xf32, #tpu.memory_space<hbm>>) offsets(%dma_start3A_717 : memref<128xi32, #tpu.memory_space<vmem>>) semaphore(%arg8 : memref<!tpu.dma_semaphore, #tpu.memory_space<semaphore_mem>>)
      %dma_start3A_721 = arith.constant 9 : i32
      %dma_start3A_722 = arith.constant 1152 : i32
      %dma_start3A_723 = arith.constant 0 : i32
      %dma_start3A_724 = tpu.memref_slice %arg5[%dma_start3A_722, %dma_start3A_723] : memref<2048x8xf32, #tpu.memory_space<vmem>> -> memref<128x8xf32, #tpu.memory_space<vmem>>
      %dma_start3A_725 = arith.constant 0 : i32
      %dma_start3A_726 = tpu.memref_slice %arg6[%dma_start3A_721, %dma_start3A_725] : memref<16x128xi32, #tpu.memory_space<vmem>> -> memref<1x128xi32, #tpu.memory_space<vmem>>
      %dma_start3A_727 = tpu.memref_squeeze %dma_start3A_726 : memref<1x128xi32, #tpu.memory_space<vmem>> -> memref<128xi32, #tpu.memory_space<vmem>>
      %dma_start3A_728 = arith.constant 0 : i32
      %dma_start3A_729 = arith.constant 0 : i32
      %dma_start3A_730 = tpu.memref_slice %arg3[%dma_start3A_728, %dma_start3A_729] : memref<81920x8xf32, #tpu.memory_space<hbm>> -> memref<81920x8xf32, #tpu.memory_space<hbm>>
      tpu.enqueue_indirect_dma source(%dma_start3A_724 : memref<128x8xf32, #tpu.memory_space<vmem>>) target(%dma_start3A_730 : memref<81920x8xf32, #tpu.memory_space<hbm>>) offsets(%dma_start3A_727 : memref<128xi32, #tpu.memory_space<vmem>>) semaphore(%arg8 : memref<!tpu.dma_semaphore, #tpu.memory_space<semaphore_mem>>)
      %dma_start3A_731 = arith.constant 10 : i32
      %dma_start3A_732 = arith.constant 1280 : i32
      %dma_start3A_733 = arith.constant 0 : i32
      %dma_start3A_734 = tpu.memref_slice %arg5[%dma_start3A_732, %dma_start3A_733] : memref<2048x8xf32, #tpu.memory_space<vmem>> -> memref<128x8xf32, #tpu.memory_space<vmem>>
      %dma_start3A_735 = arith.constant 0 : i32
      %dma_start3A_736 = tpu.memref_slice %arg6[%dma_start3A_731, %dma_start3A_735] : memref<16x128xi32, #tpu.memory_space<vmem>> -> memref<1x128xi32, #tpu.memory_space<vmem>>
      %dma_start3A_737 = tpu.memref_squeeze %dma_start3A_736 : memref<1x128xi32, #tpu.memory_space<vmem>> -> memref<128xi32, #tpu.memory_space<vmem>>
      %dma_start3A_738 = arith.constant 0 : i32
      %dma_start3A_739 = arith.constant 0 : i32
      %dma_start3A_740 = tpu.memref_slice %arg3[%dma_start3A_738, %dma_start3A_739] : memref<81920x8xf32, #tpu.memory_space<hbm>> -> memref<81920x8xf32, #tpu.memory_space<hbm>>
      tpu.enqueue_indirect_dma source(%dma_start3A_734 : memref<128x8xf32, #tpu.memory_space<vmem>>) target(%dma_start3A_740 : memref<81920x8xf32, #tpu.memory_space<hbm>>) offsets(%dma_start3A_737 : memref<128xi32, #tpu.memory_space<vmem>>) semaphore(%arg8 : memref<!tpu.dma_semaphore, #tpu.memory_space<semaphore_mem>>)
      %dma_start3A_741 = arith.constant 11 : i32
      %dma_start3A_742 = arith.constant 1408 : i32
      %dma_start3A_743 = arith.constant 0 : i32
      %dma_start3A_744 = tpu.memref_slice %arg5[%dma_start3A_742, %dma_start3A_743] : memref<2048x8xf32, #tpu.memory_space<vmem>> -> memref<128x8xf32, #tpu.memory_space<vmem>>
      %dma_start3A_745 = arith.constant 0 : i32
      %dma_start3A_746 = tpu.memref_slice %arg6[%dma_start3A_741, %dma_start3A_745] : memref<16x128xi32, #tpu.memory_space<vmem>> -> memref<1x128xi32, #tpu.memory_space<vmem>>
      %dma_start3A_747 = tpu.memref_squeeze %dma_start3A_746 : memref<1x128xi32, #tpu.memory_space<vmem>> -> memref<128xi32, #tpu.memory_space<vmem>>
      %dma_start3A_748 = arith.constant 0 : i32
      %dma_start3A_749 = arith.constant 0 : i32
      %dma_start3A_750 = tpu.memref_slice %arg3[%dma_start3A_748, %dma_start3A_749] : memref<81920x8xf32, #tpu.memory_space<hbm>> -> memref<81920x8xf32, #tpu.memory_space<hbm>>
      tpu.enqueue_indirect_dma source(%dma_start3A_744 : memref<128x8xf32, #tpu.memory_space<vmem>>) target(%dma_start3A_750 : memref<81920x8xf32, #tpu.memory_space<hbm>>) offsets(%dma_start3A_747 : memref<128xi32, #tpu.memory_space<vmem>>) semaphore(%arg8 : memref<!tpu.dma_semaphore, #tpu.memory_space<semaphore_mem>>)
      %dma_start3A_751 = arith.constant 12 : i32
      %dma_start3A_752 = arith.constant 1536 : i32
      %dma_start3A_753 = arith.constant 0 : i32
      %dma_start3A_754 = tpu.memref_slice %arg5[%dma_start3A_752, %dma_start3A_753] : memref<2048x8xf32, #tpu.memory_space<vmem>> -> memref<128x8xf32, #tpu.memory_space<vmem>>
      %dma_start3A_755 = arith.constant 0 : i32
      %dma_start3A_756 = tpu.memref_slice %arg6[%dma_start3A_751, %dma_start3A_755] : memref<16x128xi32, #tpu.memory_space<vmem>> -> memref<1x128xi32, #tpu.memory_space<vmem>>
      %dma_start3A_757 = tpu.memref_squeeze %dma_start3A_756 : memref<1x128xi32, #tpu.memory_space<vmem>> -> memref<128xi32, #tpu.memory_space<vmem>>
      %dma_start3A_758 = arith.constant 0 : i32
      %dma_start3A_759 = arith.constant 0 : i32
      %dma_start3A_760 = tpu.memref_slice %arg3[%dma_start3A_758, %dma_start3A_759] : memref<81920x8xf32, #tpu.memory_space<hbm>> -> memref<81920x8xf32, #tpu.memory_space<hbm>>
      tpu.enqueue_indirect_dma source(%dma_start3A_754 : memref<128x8xf32, #tpu.memory_space<vmem>>) target(%dma_start3A_760 : memref<81920x8xf32, #tpu.memory_space<hbm>>) offsets(%dma_start3A_757 : memref<128xi32, #tpu.memory_space<vmem>>) semaphore(%arg8 : memref<!tpu.dma_semaphore, #tpu.memory_space<semaphore_mem>>)
      %dma_start3A_761 = arith.constant 13 : i32
      %dma_start3A_762 = arith.constant 1664 : i32
      %dma_start3A_763 = arith.constant 0 : i32
      %dma_start3A_764 = tpu.memref_slice %arg5[%dma_start3A_762, %dma_start3A_763] : memref<2048x8xf32, #tpu.memory_space<vmem>> -> memref<128x8xf32, #tpu.memory_space<vmem>>
      %dma_start3A_765 = arith.constant 0 : i32
      %dma_start3A_766 = tpu.memref_slice %arg6[%dma_start3A_761, %dma_start3A_765] : memref<16x128xi32, #tpu.memory_space<vmem>> -> memref<1x128xi32, #tpu.memory_space<vmem>>
      %dma_start3A_767 = tpu.memref_squeeze %dma_start3A_766 : memref<1x128xi32, #tpu.memory_space<vmem>> -> memref<128xi32, #tpu.memory_space<vmem>>
      %dma_start3A_768 = arith.constant 0 : i32
      %dma_start3A_769 = arith.constant 0 : i32
      %dma_start3A_770 = tpu.memref_slice %arg3[%dma_start3A_768, %dma_start3A_769] : memref<81920x8xf32, #tpu.memory_space<hbm>> -> memref<81920x8xf32, #tpu.memory_space<hbm>>
      tpu.enqueue_indirect_dma source(%dma_start3A_764 : memref<128x8xf32, #tpu.memory_space<vmem>>) target(%dma_start3A_770 : memref<81920x8xf32, #tpu.memory_space<hbm>>) offsets(%dma_start3A_767 : memref<128xi32, #tpu.memory_space<vmem>>) semaphore(%arg8 : memref<!tpu.dma_semaphore, #tpu.memory_space<semaphore_mem>>)
      %dma_start3A_771 = arith.constant 14 : i32
      %dma_start3A_772 = arith.constant 1792 : i32
      %dma_start3A_773 = arith.constant 0 : i32
      %dma_start3A_774 = tpu.memref_slice %arg5[%dma_start3A_772, %dma_start3A_773] : memref<2048x8xf32, #tpu.memory_space<vmem>> -> memref<128x8xf32, #tpu.memory_space<vmem>>
      %dma_start3A_775 = arith.constant 0 : i32
      %dma_start3A_776 = tpu.memref_slice %arg6[%dma_start3A_771, %dma_start3A_775] : memref<16x128xi32, #tpu.memory_space<vmem>> -> memref<1x128xi32, #tpu.memory_space<vmem>>
      %dma_start3A_777 = tpu.memref_squeeze %dma_start3A_776 : memref<1x128xi32, #tpu.memory_space<vmem>> -> memref<128xi32, #tpu.memory_space<vmem>>
      %dma_start3A_778 = arith.constant 0 : i32
      %dma_start3A_779 = arith.constant 0 : i32
      %dma_start3A_780 = tpu.memref_slice %arg3[%dma_start3A_778, %dma_start3A_779] : memref<81920x8xf32, #tpu.memory_space<hbm>> -> memref<81920x8xf32, #tpu.memory_space<hbm>>
      tpu.enqueue_indirect_dma source(%dma_start3A_774 : memref<128x8xf32, #tpu.memory_space<vmem>>) target(%dma_start3A_780 : memref<81920x8xf32, #tpu.memory_space<hbm>>) offsets(%dma_start3A_777 : memref<128xi32, #tpu.memory_space<vmem>>) semaphore(%arg8 : memref<!tpu.dma_semaphore, #tpu.memory_space<semaphore_mem>>)
      %dma_start3A_781 = arith.constant 15 : i32
      %dma_start3A_782 = arith.constant 1920 : i32
      %dma_start3A_783 = arith.constant 0 : i32
      %dma_start3A_784 = tpu.memref_slice %arg5[%dma_start3A_782, %dma_start3A_783] : memref<2048x8xf32, #tpu.memory_space<vmem>> -> memref<128x8xf32, #tpu.memory_space<vmem>>
      %dma_start3A_785 = arith.constant 0 : i32
      %dma_start3A_786 = tpu.memref_slice %arg6[%dma_start3A_781, %dma_start3A_785] : memref<16x128xi32, #tpu.memory_space<vmem>> -> memref<1x128xi32, #tpu.memory_space<vmem>>
      %dma_start3A_787 = tpu.memref_squeeze %dma_start3A_786 : memref<1x128xi32, #tpu.memory_space<vmem>> -> memref<128xi32, #tpu.memory_space<vmem>>
      %dma_start3A_788 = arith.constant 0 : i32
      %dma_start3A_789 = arith.constant 0 : i32
      %dma_start3A_790 = tpu.memref_slice %arg3[%dma_start3A_788, %dma_start3A_789] : memref<81920x8xf32, #tpu.memory_space<hbm>> -> memref<81920x8xf32, #tpu.memory_space<hbm>>
      tpu.enqueue_indirect_dma source(%dma_start3A_784 : memref<128x8xf32, #tpu.memory_space<vmem>>) target(%dma_start3A_790 : memref<81920x8xf32, #tpu.memory_space<hbm>>) offsets(%dma_start3A_787 : memref<128xi32, #tpu.memory_space<vmem>>) semaphore(%arg8 : memref<!tpu.dma_semaphore, #tpu.memory_space<semaphore_mem>>)
      %dma_wait3A_791 = arith.constant 0 : i32
      %dma_wait3A_792 = arith.constant 0 : i32
      %dma_wait3A_793 = arith.constant 0 : i32
      %dma_wait3A_794 = tpu.memref_slice %arg5[%dma_wait3A_792, %dma_wait3A_793] : memref<2048x8xf32, #tpu.memory_space<vmem>> -> memref<128x8xf32, #tpu.memory_space<vmem>>
      %dma_wait3A_795 = arith.constant 0 : i32
      %dma_wait3A_796 = tpu.memref_slice %arg6[%dma_wait3A_791, %dma_wait3A_795] : memref<16x128xi32, #tpu.memory_space<vmem>> -> memref<1x128xi32, #tpu.memory_space<vmem>>
      %dma_wait3A_797 = tpu.memref_squeeze %dma_wait3A_796 : memref<1x128xi32, #tpu.memory_space<vmem>> -> memref<128xi32, #tpu.memory_space<vmem>>
      %dma_wait3A_798 = arith.constant 0 : i32
      %dma_wait3A_799 = arith.constant 0 : i32
      %dma_wait3A_800 = tpu.memref_slice %arg3[%dma_wait3A_798, %dma_wait3A_799] : memref<81920x8xf32, #tpu.memory_space<hbm>> -> memref<81920x8xf32, #tpu.memory_space<hbm>>
      tpu.wait_indirect_dma semaphore(%arg8 : memref<!tpu.dma_semaphore, #tpu.memory_space<semaphore_mem>>) src(%dma_wait3A_794 : memref<128x8xf32, #tpu.memory_space<vmem>>) dst(%dma_wait3A_800 : memref<81920x8xf32, #tpu.memory_space<hbm>>)
      %dma_wait3A_801 = arith.constant 1 : i32
      %dma_wait3A_802 = arith.constant 128 : i32
      %dma_wait3A_803 = arith.constant 0 : i32
      %dma_wait3A_804 = tpu.memref_slice %arg5[%dma_wait3A_802, %dma_wait3A_803] : memref<2048x8xf32, #tpu.memory_space<vmem>> -> memref<128x8xf32, #tpu.memory_space<vmem>>
      %dma_wait3A_805 = arith.constant 0 : i32
      %dma_wait3A_806 = tpu.memref_slice %arg6[%dma_wait3A_801, %dma_wait3A_805] : memref<16x128xi32, #tpu.memory_space<vmem>> -> memref<1x128xi32, #tpu.memory_space<vmem>>
      %dma_wait3A_807 = tpu.memref_squeeze %dma_wait3A_806 : memref<1x128xi32, #tpu.memory_space<vmem>> -> memref<128xi32, #tpu.memory_space<vmem>>
      %dma_wait3A_808 = arith.constant 0 : i32
      %dma_wait3A_809 = arith.constant 0 : i32
      %dma_wait3A_810 = tpu.memref_slice %arg3[%dma_wait3A_808, %dma_wait3A_809] : memref<81920x8xf32, #tpu.memory_space<hbm>> -> memref<81920x8xf32, #tpu.memory_space<hbm>>
      tpu.wait_indirect_dma semaphore(%arg8 : memref<!tpu.dma_semaphore, #tpu.memory_space<semaphore_mem>>) src(%dma_wait3A_804 : memref<128x8xf32, #tpu.memory_space<vmem>>) dst(%dma_wait3A_810 : memref<81920x8xf32, #tpu.memory_space<hbm>>)
      %dma_wait3A_811 = arith.constant 2 : i32
      %dma_wait3A_812 = arith.constant 256 : i32
      %dma_wait3A_813 = arith.constant 0 : i32
      %dma_wait3A_814 = tpu.memref_slice %arg5[%dma_wait3A_812, %dma_wait3A_813] : memref<2048x8xf32, #tpu.memory_space<vmem>> -> memref<128x8xf32, #tpu.memory_space<vmem>>
      %dma_wait3A_815 = arith.constant 0 : i32
      %dma_wait3A_816 = tpu.memref_slice %arg6[%dma_wait3A_811, %dma_wait3A_815] : memref<16x128xi32, #tpu.memory_space<vmem>> -> memref<1x128xi32, #tpu.memory_space<vmem>>
      %dma_wait3A_817 = tpu.memref_squeeze %dma_wait3A_816 : memref<1x128xi32, #tpu.memory_space<vmem>> -> memref<128xi32, #tpu.memory_space<vmem>>
      %dma_wait3A_818 = arith.constant 0 : i32
      %dma_wait3A_819 = arith.constant 0 : i32
      %dma_wait3A_820 = tpu.memref_slice %arg3[%dma_wait3A_818, %dma_wait3A_819] : memref<81920x8xf32, #tpu.memory_space<hbm>> -> memref<81920x8xf32, #tpu.memory_space<hbm>>
      tpu.wait_indirect_dma semaphore(%arg8 : memref<!tpu.dma_semaphore, #tpu.memory_space<semaphore_mem>>) src(%dma_wait3A_814 : memref<128x8xf32, #tpu.memory_space<vmem>>) dst(%dma_wait3A_820 : memref<81920x8xf32, #tpu.memory_space<hbm>>)
      %dma_wait3A_821 = arith.constant 3 : i32
      %dma_wait3A_822 = arith.constant 384 : i32
      %dma_wait3A_823 = arith.constant 0 : i32
      %dma_wait3A_824 = tpu.memref_slice %arg5[%dma_wait3A_822, %dma_wait3A_823] : memref<2048x8xf32, #tpu.memory_space<vmem>> -> memref<128x8xf32, #tpu.memory_space<vmem>>
      %dma_wait3A_825 = arith.constant 0 : i32
      %dma_wait3A_826 = tpu.memref_slice %arg6[%dma_wait3A_821, %dma_wait3A_825] : memref<16x128xi32, #tpu.memory_space<vmem>> -> memref<1x128xi32, #tpu.memory_space<vmem>>
      %dma_wait3A_827 = tpu.memref_squeeze %dma_wait3A_826 : memref<1x128xi32, #tpu.memory_space<vmem>> -> memref<128xi32, #tpu.memory_space<vmem>>
      %dma_wait3A_828 = arith.constant 0 : i32
      %dma_wait3A_829 = arith.constant 0 : i32
      %dma_wait3A_830 = tpu.memref_slice %arg3[%dma_wait3A_828, %dma_wait3A_829] : memref<81920x8xf32, #tpu.memory_space<hbm>> -> memref<81920x8xf32, #tpu.memory_space<hbm>>
      tpu.wait_indirect_dma semaphore(%arg8 : memref<!tpu.dma_semaphore, #tpu.memory_space<semaphore_mem>>) src(%dma_wait3A_824 : memref<128x8xf32, #tpu.memory_space<vmem>>) dst(%dma_wait3A_830 : memref<81920x8xf32, #tpu.memory_space<hbm>>)
      %dma_wait3A_831 = arith.constant 4 : i32
      %dma_wait3A_832 = arith.constant 512 : i32
      %dma_wait3A_833 = arith.constant 0 : i32
      %dma_wait3A_834 = tpu.memref_slice %arg5[%dma_wait3A_832, %dma_wait3A_833] : memref<2048x8xf32, #tpu.memory_space<vmem>> -> memref<128x8xf32, #tpu.memory_space<vmem>>
      %dma_wait3A_835 = arith.constant 0 : i32
      %dma_wait3A_836 = tpu.memref_slice %arg6[%dma_wait3A_831, %dma_wait3A_835] : memref<16x128xi32, #tpu.memory_space<vmem>> -> memref<1x128xi32, #tpu.memory_space<vmem>>
      %dma_wait3A_837 = tpu.memref_squeeze %dma_wait3A_836 : memref<1x128xi32, #tpu.memory_space<vmem>> -> memref<128xi32, #tpu.memory_space<vmem>>
      %dma_wait3A_838 = arith.constant 0 : i32
      %dma_wait3A_839 = arith.constant 0 : i32
      %dma_wait3A_840 = tpu.memref_slice %arg3[%dma_wait3A_838, %dma_wait3A_839] : memref<81920x8xf32, #tpu.memory_space<hbm>> -> memref<81920x8xf32, #tpu.memory_space<hbm>>
      tpu.wait_indirect_dma semaphore(%arg8 : memref<!tpu.dma_semaphore, #tpu.memory_space<semaphore_mem>>) src(%dma_wait3A_834 : memref<128x8xf32, #tpu.memory_space<vmem>>) dst(%dma_wait3A_840 : memref<81920x8xf32, #tpu.memory_space<hbm>>)
      %dma_wait3A_841 = arith.constant 5 : i32
      %dma_wait3A_842 = arith.constant 640 : i32
      %dma_wait3A_843 = arith.constant 0 : i32
      %dma_wait3A_844 = tpu.memref_slice %arg5[%dma_wait3A_842, %dma_wait3A_843] : memref<2048x8xf32, #tpu.memory_space<vmem>> -> memref<128x8xf32, #tpu.memory_space<vmem>>
      %dma_wait3A_845 = arith.constant 0 : i32
      %dma_wait3A_846 = tpu.memref_slice %arg6[%dma_wait3A_841, %dma_wait3A_845] : memref<16x128xi32, #tpu.memory_space<vmem>> -> memref<1x128xi32, #tpu.memory_space<vmem>>
      %dma_wait3A_847 = tpu.memref_squeeze %dma_wait3A_846 : memref<1x128xi32, #tpu.memory_space<vmem>> -> memref<128xi32, #tpu.memory_space<vmem>>
      %dma_wait3A_848 = arith.constant 0 : i32
      %dma_wait3A_849 = arith.constant 0 : i32
      %dma_wait3A_850 = tpu.memref_slice %arg3[%dma_wait3A_848, %dma_wait3A_849] : memref<81920x8xf32, #tpu.memory_space<hbm>> -> memref<81920x8xf32, #tpu.memory_space<hbm>>
      tpu.wait_indirect_dma semaphore(%arg8 : memref<!tpu.dma_semaphore, #tpu.memory_space<semaphore_mem>>) src(%dma_wait3A_844 : memref<128x8xf32, #tpu.memory_space<vmem>>) dst(%dma_wait3A_850 : memref<81920x8xf32, #tpu.memory_space<hbm>>)
      %dma_wait3A_851 = arith.constant 6 : i32
      %dma_wait3A_852 = arith.constant 768 : i32
      %dma_wait3A_853 = arith.constant 0 : i32
      %dma_wait3A_854 = tpu.memref_slice %arg5[%dma_wait3A_852, %dma_wait3A_853] : memref<2048x8xf32, #tpu.memory_space<vmem>> -> memref<128x8xf32, #tpu.memory_space<vmem>>
      %dma_wait3A_855 = arith.constant 0 : i32
      %dma_wait3A_856 = tpu.memref_slice %arg6[%dma_wait3A_851, %dma_wait3A_855] : memref<16x128xi32, #tpu.memory_space<vmem>> -> memref<1x128xi32, #tpu.memory_space<vmem>>
      %dma_wait3A_857 = tpu.memref_squeeze %dma_wait3A_856 : memref<1x128xi32, #tpu.memory_space<vmem>> -> memref<128xi32, #tpu.memory_space<vmem>>
      %dma_wait3A_858 = arith.constant 0 : i32
      %dma_wait3A_859 = arith.constant 0 : i32
      %dma_wait3A_860 = tpu.memref_slice %arg3[%dma_wait3A_858, %dma_wait3A_859] : memref<81920x8xf32, #tpu.memory_space<hbm>> -> memref<81920x8xf32, #tpu.memory_space<hbm>>
      tpu.wait_indirect_dma semaphore(%arg8 : memref<!tpu.dma_semaphore, #tpu.memory_space<semaphore_mem>>) src(%dma_wait3A_854 : memref<128x8xf32, #tpu.memory_space<vmem>>) dst(%dma_wait3A_860 : memref<81920x8xf32, #tpu.memory_space<hbm>>)
      %dma_wait3A_861 = arith.constant 7 : i32
      %dma_wait3A_862 = arith.constant 896 : i32
      %dma_wait3A_863 = arith.constant 0 : i32
      %dma_wait3A_864 = tpu.memref_slice %arg5[%dma_wait3A_862, %dma_wait3A_863] : memref<2048x8xf32, #tpu.memory_space<vmem>> -> memref<128x8xf32, #tpu.memory_space<vmem>>
      %dma_wait3A_865 = arith.constant 0 : i32
      %dma_wait3A_866 = tpu.memref_slice %arg6[%dma_wait3A_861, %dma_wait3A_865] : memref<16x128xi32, #tpu.memory_space<vmem>> -> memref<1x128xi32, #tpu.memory_space<vmem>>
      %dma_wait3A_867 = tpu.memref_squeeze %dma_wait3A_866 : memref<1x128xi32, #tpu.memory_space<vmem>> -> memref<128xi32, #tpu.memory_space<vmem>>
      %dma_wait3A_868 = arith.constant 0 : i32
      %dma_wait3A_869 = arith.constant 0 : i32
      %dma_wait3A_870 = tpu.memref_slice %arg3[%dma_wait3A_868, %dma_wait3A_869] : memref<81920x8xf32, #tpu.memory_space<hbm>> -> memref<81920x8xf32, #tpu.memory_space<hbm>>
      tpu.wait_indirect_dma semaphore(%arg8 : memref<!tpu.dma_semaphore, #tpu.memory_space<semaphore_mem>>) src(%dma_wait3A_864 : memref<128x8xf32, #tpu.memory_space<vmem>>) dst(%dma_wait3A_870 : memref<81920x8xf32, #tpu.memory_space<hbm>>)
      %dma_wait3A_871 = arith.constant 8 : i32
      %dma_wait3A_872 = arith.constant 1024 : i32
      %dma_wait3A_873 = arith.constant 0 : i32
      %dma_wait3A_874 = tpu.memref_slice %arg5[%dma_wait3A_872, %dma_wait3A_873] : memref<2048x8xf32, #tpu.memory_space<vmem>> -> memref<128x8xf32, #tpu.memory_space<vmem>>
      %dma_wait3A_875 = arith.constant 0 : i32
      %dma_wait3A_876 = tpu.memref_slice %arg6[%dma_wait3A_871, %dma_wait3A_875] : memref<16x128xi32, #tpu.memory_space<vmem>> -> memref<1x128xi32, #tpu.memory_space<vmem>>
      %dma_wait3A_877 = tpu.memref_squeeze %dma_wait3A_876 : memref<1x128xi32, #tpu.memory_space<vmem>> -> memref<128xi32, #tpu.memory_space<vmem>>
      %dma_wait3A_878 = arith.constant 0 : i32
      %dma_wait3A_879 = arith.constant 0 : i32
      %dma_wait3A_880 = tpu.memref_slice %arg3[%dma_wait3A_878, %dma_wait3A_879] : memref<81920x8xf32, #tpu.memory_space<hbm>> -> memref<81920x8xf32, #tpu.memory_space<hbm>>
      tpu.wait_indirect_dma semaphore(%arg8 : memref<!tpu.dma_semaphore, #tpu.memory_space<semaphore_mem>>) src(%dma_wait3A_874 : memref<128x8xf32, #tpu.memory_space<vmem>>) dst(%dma_wait3A_880 : memref<81920x8xf32, #tpu.memory_space<hbm>>)
      %dma_wait3A_881 = arith.constant 9 : i32
      %dma_wait3A_882 = arith.constant 1152 : i32
      %dma_wait3A_883 = arith.constant 0 : i32
      %dma_wait3A_884 = tpu.memref_slice %arg5[%dma_wait3A_882, %dma_wait3A_883] : memref<2048x8xf32, #tpu.memory_space<vmem>> -> memref<128x8xf32, #tpu.memory_space<vmem>>
      %dma_wait3A_885 = arith.constant 0 : i32
      %dma_wait3A_886 = tpu.memref_slice %arg6[%dma_wait3A_881, %dma_wait3A_885] : memref<16x128xi32, #tpu.memory_space<vmem>> -> memref<1x128xi32, #tpu.memory_space<vmem>>
      %dma_wait3A_887 = tpu.memref_squeeze %dma_wait3A_886 : memref<1x128xi32, #tpu.memory_space<vmem>> -> memref<128xi32, #tpu.memory_space<vmem>>
      %dma_wait3A_888 = arith.constant 0 : i32
      %dma_wait3A_889 = arith.constant 0 : i32
      %dma_wait3A_890 = tpu.memref_slice %arg3[%dma_wait3A_888, %dma_wait3A_889] : memref<81920x8xf32, #tpu.memory_space<hbm>> -> memref<81920x8xf32, #tpu.memory_space<hbm>>
      tpu.wait_indirect_dma semaphore(%arg8 : memref<!tpu.dma_semaphore, #tpu.memory_space<semaphore_mem>>) src(%dma_wait3A_884 : memref<128x8xf32, #tpu.memory_space<vmem>>) dst(%dma_wait3A_890 : memref<81920x8xf32, #tpu.memory_space<hbm>>)
      %dma_wait3A_891 = arith.constant 10 : i32
      %dma_wait3A_892 = arith.constant 1280 : i32
      %dma_wait3A_893 = arith.constant 0 : i32
      %dma_wait3A_894 = tpu.memref_slice %arg5[%dma_wait3A_892, %dma_wait3A_893] : memref<2048x8xf32, #tpu.memory_space<vmem>> -> memref<128x8xf32, #tpu.memory_space<vmem>>
      %dma_wait3A_895 = arith.constant 0 : i32
      %dma_wait3A_896 = tpu.memref_slice %arg6[%dma_wait3A_891, %dma_wait3A_895] : memref<16x128xi32, #tpu.memory_space<vmem>> -> memref<1x128xi32, #tpu.memory_space<vmem>>
      %dma_wait3A_897 = tpu.memref_squeeze %dma_wait3A_896 : memref<1x128xi32, #tpu.memory_space<vmem>> -> memref<128xi32, #tpu.memory_space<vmem>>
      %dma_wait3A_898 = arith.constant 0 : i32
      %dma_wait3A_899 = arith.constant 0 : i32
      %dma_wait3A_900 = tpu.memref_slice %arg3[%dma_wait3A_898, %dma_wait3A_899] : memref<81920x8xf32, #tpu.memory_space<hbm>> -> memref<81920x8xf32, #tpu.memory_space<hbm>>
      tpu.wait_indirect_dma semaphore(%arg8 : memref<!tpu.dma_semaphore, #tpu.memory_space<semaphore_mem>>) src(%dma_wait3A_894 : memref<128x8xf32, #tpu.memory_space<vmem>>) dst(%dma_wait3A_900 : memref<81920x8xf32, #tpu.memory_space<hbm>>)
      %dma_wait3A_901 = arith.constant 11 : i32
      %dma_wait3A_902 = arith.constant 1408 : i32
      %dma_wait3A_903 = arith.constant 0 : i32
      %dma_wait3A_904 = tpu.memref_slice %arg5[%dma_wait3A_902, %dma_wait3A_903] : memref<2048x8xf32, #tpu.memory_space<vmem>> -> memref<128x8xf32, #tpu.memory_space<vmem>>
      %dma_wait3A_905 = arith.constant 0 : i32
      %dma_wait3A_906 = tpu.memref_slice %arg6[%dma_wait3A_901, %dma_wait3A_905] : memref<16x128xi32, #tpu.memory_space<vmem>> -> memref<1x128xi32, #tpu.memory_space<vmem>>
      %dma_wait3A_907 = tpu.memref_squeeze %dma_wait3A_906 : memref<1x128xi32, #tpu.memory_space<vmem>> -> memref<128xi32, #tpu.memory_space<vmem>>
      %dma_wait3A_908 = arith.constant 0 : i32
      %dma_wait3A_909 = arith.constant 0 : i32
      %dma_wait3A_910 = tpu.memref_slice %arg3[%dma_wait3A_908, %dma_wait3A_909] : memref<81920x8xf32, #tpu.memory_space<hbm>> -> memref<81920x8xf32, #tpu.memory_space<hbm>>
      tpu.wait_indirect_dma semaphore(%arg8 : memref<!tpu.dma_semaphore, #tpu.memory_space<semaphore_mem>>) src(%dma_wait3A_904 : memref<128x8xf32, #tpu.memory_space<vmem>>) dst(%dma_wait3A_910 : memref<81920x8xf32, #tpu.memory_space<hbm>>)
      %dma_wait3A_911 = arith.constant 12 : i32
      %dma_wait3A_912 = arith.constant 1536 : i32
      %dma_wait3A_913 = arith.constant 0 : i32
      %dma_wait3A_914 = tpu.memref_slice %arg5[%dma_wait3A_912, %dma_wait3A_913] : memref<2048x8xf32, #tpu.memory_space<vmem>> -> memref<128x8xf32, #tpu.memory_space<vmem>>
      %dma_wait3A_915 = arith.constant 0 : i32
      %dma_wait3A_916 = tpu.memref_slice %arg6[%dma_wait3A_911, %dma_wait3A_915] : memref<16x128xi32, #tpu.memory_space<vmem>> -> memref<1x128xi32, #tpu.memory_space<vmem>>
      %dma_wait3A_917 = tpu.memref_squeeze %dma_wait3A_916 : memref<1x128xi32, #tpu.memory_space<vmem>> -> memref<128xi32, #tpu.memory_space<vmem>>
      %dma_wait3A_918 = arith.constant 0 : i32
      %dma_wait3A_919 = arith.constant 0 : i32
      %dma_wait3A_920 = tpu.memref_slice %arg3[%dma_wait3A_918, %dma_wait3A_919] : memref<81920x8xf32, #tpu.memory_space<hbm>> -> memref<81920x8xf32, #tpu.memory_space<hbm>>
      tpu.wait_indirect_dma semaphore(%arg8 : memref<!tpu.dma_semaphore, #tpu.memory_space<semaphore_mem>>) src(%dma_wait3A_914 : memref<128x8xf32, #tpu.memory_space<vmem>>) dst(%dma_wait3A_920 : memref<81920x8xf32, #tpu.memory_space<hbm>>)
      %dma_wait3A_921 = arith.constant 13 : i32
      %dma_wait3A_922 = arith.constant 1664 : i32
      %dma_wait3A_923 = arith.constant 0 : i32
      %dma_wait3A_924 = tpu.memref_slice %arg5[%dma_wait3A_922, %dma_wait3A_923] : memref<2048x8xf32, #tpu.memory_space<vmem>> -> memref<128x8xf32, #tpu.memory_space<vmem>>
      %dma_wait3A_925 = arith.constant 0 : i32
      %dma_wait3A_926 = tpu.memref_slice %arg6[%dma_wait3A_921, %dma_wait3A_925] : memref<16x128xi32, #tpu.memory_space<vmem>> -> memref<1x128xi32, #tpu.memory_space<vmem>>
      %dma_wait3A_927 = tpu.memref_squeeze %dma_wait3A_926 : memref<1x128xi32, #tpu.memory_space<vmem>> -> memref<128xi32, #tpu.memory_space<vmem>>
      %dma_wait3A_928 = arith.constant 0 : i32
      %dma_wait3A_929 = arith.constant 0 : i32
      %dma_wait3A_930 = tpu.memref_slice %arg3[%dma_wait3A_928, %dma_wait3A_929] : memref<81920x8xf32, #tpu.memory_space<hbm>> -> memref<81920x8xf32, #tpu.memory_space<hbm>>
      tpu.wait_indirect_dma semaphore(%arg8 : memref<!tpu.dma_semaphore, #tpu.memory_space<semaphore_mem>>) src(%dma_wait3A_924 : memref<128x8xf32, #tpu.memory_space<vmem>>) dst(%dma_wait3A_930 : memref<81920x8xf32, #tpu.memory_space<hbm>>)
      %dma_wait3A_931 = arith.constant 14 : i32
      %dma_wait3A_932 = arith.constant 1792 : i32
      %dma_wait3A_933 = arith.constant 0 : i32
      %dma_wait3A_934 = tpu.memref_slice %arg5[%dma_wait3A_932, %dma_wait3A_933] : memref<2048x8xf32, #tpu.memory_space<vmem>> -> memref<128x8xf32, #tpu.memory_space<vmem>>
      %dma_wait3A_935 = arith.constant 0 : i32
      %dma_wait3A_936 = tpu.memref_slice %arg6[%dma_wait3A_931, %dma_wait3A_935] : memref<16x128xi32, #tpu.memory_space<vmem>> -> memref<1x128xi32, #tpu.memory_space<vmem>>
      %dma_wait3A_937 = tpu.memref_squeeze %dma_wait3A_936 : memref<1x128xi32, #tpu.memory_space<vmem>> -> memref<128xi32, #tpu.memory_space<vmem>>
      %dma_wait3A_938 = arith.constant 0 : i32
      %dma_wait3A_939 = arith.constant 0 : i32
      %dma_wait3A_940 = tpu.memref_slice %arg3[%dma_wait3A_938, %dma_wait3A_939] : memref<81920x8xf32, #tpu.memory_space<hbm>> -> memref<81920x8xf32, #tpu.memory_space<hbm>>
      tpu.wait_indirect_dma semaphore(%arg8 : memref<!tpu.dma_semaphore, #tpu.memory_space<semaphore_mem>>) src(%dma_wait3A_934 : memref<128x8xf32, #tpu.memory_space<vmem>>) dst(%dma_wait3A_940 : memref<81920x8xf32, #tpu.memory_space<hbm>>)
      %dma_wait3A_941 = arith.constant 15 : i32
      %dma_wait3A_942 = arith.constant 1920 : i32
      %dma_wait3A_943 = arith.constant 0 : i32
      %dma_wait3A_944 = tpu.memref_slice %arg5[%dma_wait3A_942, %dma_wait3A_943] : memref<2048x8xf32, #tpu.memory_space<vmem>> -> memref<128x8xf32, #tpu.memory_space<vmem>>
      %dma_wait3A_945 = arith.constant 0 : i32
      %dma_wait3A_946 = tpu.memref_slice %arg6[%dma_wait3A_941, %dma_wait3A_945] : memref<16x128xi32, #tpu.memory_space<vmem>> -> memref<1x128xi32, #tpu.memory_space<vmem>>
      %dma_wait3A_947 = tpu.memref_squeeze %dma_wait3A_946 : memref<1x128xi32, #tpu.memory_space<vmem>> -> memref<128xi32, #tpu.memory_space<vmem>>
      %dma_wait3A_948 = arith.constant 0 : i32
      %dma_wait3A_949 = arith.constant 0 : i32
      %dma_wait3A_950 = tpu.memref_slice %arg3[%dma_wait3A_948, %dma_wait3A_949] : memref<81920x8xf32, #tpu.memory_space<hbm>> -> memref<81920x8xf32, #tpu.memory_space<hbm>>
      tpu.wait_indirect_dma semaphore(%arg8 : memref<!tpu.dma_semaphore, #tpu.memory_space<semaphore_mem>>) src(%dma_wait3A_944 : memref<128x8xf32, #tpu.memory_space<vmem>>) dst(%dma_wait3A_950 : memref<81920x8xf32, #tpu.memory_space<hbm>>)
    } else {
    }
    return
  }
}

module attributes {stable_mosaic.version = 14 : i64} {
  func.func @_pass1_body(%arg0: i32, %arg1: i32, %arg2: memref<8x128xf32, #tpu.memory_space<vmem>>, %arg3: memref<1x2000x80xf32, #tpu.memory_space<vmem>>, %arg4: memref<1x2000x4xf32, #tpu.memory_space<vmem>>, %arg5: memref<1x2000x4xf32, #tpu.memory_space<vmem>>, %arg6: memref<1x8x2000xf32, #tpu.memory_space<vmem>>, %arg7: memref<1xf32, #tpu.memory_space<smem>>, %arg8: memref<2000x2000xf32, #tpu.memory_space<vmem>>) attributes {dimension_semantics = [#tpu.dimension_semantics<arbitrary>, #tpu.dimension_semantics<arbitrary>], iteration_bounds = array<i64: 4, 10>, scalar_prefetch = 0 : i64, scratch_operands = 2 : i64, tpu.core_type = #tpu.core_type<tc>, window_params = [{pipeline_mode = #tpu.pipeline_mode<synchronous>, transform_indices = @transform_0, window_bounds = array<i64: 8, 128>}, {transform_indices = @transform_1, window_bounds = array<i64: 1, 2000, 80>}, {transform_indices = @transform_2, window_bounds = array<i64: 1, 2000, 4>}, {transform_indices = @transform_3, window_bounds = array<i64: 1, 2000, 4>}, {transform_indices = @transform_4, window_bounds = array<i64: 1, 8, 2000>}]} {
    %eq3A = arith.constant 0 : i32
    %eq3A_0 = arith.cmpi eq, %arg1, %eq3A : i32
    %convert_element_type3A = arith.extui %eq3A_0 : i1 to i32
    %cond3A = arith.constant 0 : i32
    %cond3A_1 = arith.cmpi ne, %convert_element_type3A, %cond3A : i32
    scf.if %cond3A_1 {
      %iota3A_128 = tpu.iota {dimensions = array<i32: 0>} : vector<2000x2000xi32>
      %iota3A_129 = tpu.iota {dimensions = array<i32: 1>} : vector<2000x2000xi32>
      %le3A = arith.cmpi sle, %iota3A_128, %iota3A_129 : vector<2000x2000xi32>
      %convert_element_type3A_130 = arith.extui %le3A : vector<2000x2000xi1> to vector<2000x2000xi32>
      %convert_element_type3A_131 = arith.sitofp %convert_element_type3A_130 : vector<2000x2000xi32> to vector<2000x2000xf32>
      %swap3A_132 = arith.constant 0 : index
      %swap3A_133 = arith.constant 0 : index
      %swap3A_134 = vector.load %arg8[%swap3A_132, %swap3A_133] : memref<2000x2000xf32, #tpu.memory_space<vmem>>, vector<2000x2000xf32>
      tpu.vector_store %arg8[%swap3A_132, %swap3A_133], %convert_element_type3A_131 {strides = array<i32>} : memref<2000x2000xf32, #tpu.memory_space<vmem>>, vector<2000x2000xf32>,
      %swap3A_135 = arith.constant 0.000000e+00 : f32
      %swap3A_136 = arith.constant 0 : index
      %swap3A_137 = memref.load %arg7[%swap3A_136] : memref<1xf32, #tpu.memory_space<smem>>
      memref.store %swap3A_135, %arg7[%swap3A_136] : memref<1xf32, #tpu.memory_space<smem>>
    } else {
    }
    %get3A = arith.constant 0 : index
    %get3A_2 = arith.constant 0 : index
    %get3A_3 = arith.constant 0 : index
    %get3A_4 = vector.load %arg3[%get3A, %get3A_2, %get3A_3] : memref<1x2000x80xf32, #tpu.memory_space<vmem>>, vector<1x2000x80xf32>
    %get3A_5 = vector.shape_cast %get3A_4 : vector<1x2000x80xf32> to vector<2000x80xf32>
    %reduce_max3A = arith.constant dense<0xFF800000> : vector<2000xf32>
    %reduce_max3A_6 = vector.multi_reduction <maximumf>, %get3A_5, %reduce_max3A [1] : vector<2000x80xf32> to vector<2000xf32>
    %broadcast_in_dim3A = vector.shape_cast %reduce_max3A_6 : vector<2000xf32> to vector<2000x1xf32>
    %iota3A = tpu.iota {dimensions = array<i32: 1>} : vector<2000x80xi32>
    %eq3A_7 = vector.broadcast %broadcast_in_dim3A : vector<2000x1xf32> to vector<2000x80xf32>
    %eq3A_8 = arith.cmpf oeq, %get3A_5, %eq3A_7 : vector<2000x80xf32>
    %jit3A = arith.constant 80 : i32
    %broadcast_in_dim3A_9 = vector.broadcast %jit3A : i32 to vector<2000x80xi32>
    %select_n3A = arith.select %eq3A_8, %iota3A, %broadcast_in_dim3A_9 : vector<2000x80xi1>, vector<2000x80xi32>
    %reduce_min3A = arith.constant dense<2147483647> : vector<2000xi32>
    %reduce_min3A_10 = vector.multi_reduction <minsi>, %select_n3A, %reduce_min3A [1] : vector<2000x80xi32> to vector<2000xi32>
    %broadcast_in_dim3A_11 = vector.shape_cast %reduce_min3A_10 : vector<2000xi32> to vector<2000x1xi32>
    %get3A_12 = arith.constant 0 : index
    %get3A_13 = arith.constant 0 : index
    %get3A_14 = arith.constant 0 : index
    %get3A_15 = vector.load %arg4[%get3A_12, %get3A_13, %get3A_14] : memref<1x2000x4xf32, #tpu.memory_space<vmem>>, vector<1x2000x4xf32>
    %get3A_16 = vector.shape_cast %get3A_15 : vector<1x2000x4xf32> to vector<2000x4xf32>
    %get3A_17 = arith.constant 0 : index
    %get3A_18 = arith.constant 0 : index
    %get3A_19 = arith.constant 0 : index
    %get3A_20 = vector.load %arg5[%get3A_17, %get3A_18, %get3A_19] : memref<1x2000x4xf32, #tpu.memory_space<vmem>>, vector<1x2000x4xf32>
    %get3A_21 = vector.shape_cast %get3A_20 : vector<1x2000x4xf32> to vector<2000x4xf32>
    %slice3A = vector.extract_strided_slice %get3A_16 {offsets = [0, 2], sizes = [2000, 1], strides = [1, 1]} : vector<2000x4xf32> to vector<2000x1xf32>
    %slice3A_22 = vector.extract_strided_slice %get3A_16 {offsets = [0, 0], sizes = [2000, 1], strides = [1, 1]} : vector<2000x4xf32> to vector<2000x1xf32>
    %sub3A = arith.subf %slice3A, %slice3A_22 : vector<2000x1xf32>
    %slice3A_23 = vector.extract_strided_slice %get3A_16 {offsets = [0, 3], sizes = [2000, 1], strides = [1, 1]} : vector<2000x4xf32> to vector<2000x1xf32>
    %slice3A_24 = vector.extract_strided_slice %get3A_16 {offsets = [0, 1], sizes = [2000, 1], strides = [1, 1]} : vector<2000x4xf32> to vector<2000x1xf32>
    %sub3A_25 = arith.subf %slice3A_23, %slice3A_24 : vector<2000x1xf32>
    %slice3A_26 = vector.extract_strided_slice %get3A_16 {offsets = [0, 0], sizes = [2000, 1], strides = [1, 1]} : vector<2000x4xf32> to vector<2000x1xf32>
    %mul3A = arith.constant 5.000000e-01 : f32
    %mul3A_27 = vector.broadcast %mul3A : f32 to vector<2000x1xf32>
    %mul3A_28 = arith.mulf %mul3A_27, %sub3A : vector<2000x1xf32>
    %add3A = arith.addf %slice3A_26, %mul3A_28 : vector<2000x1xf32>
    %slice3A_29 = vector.extract_strided_slice %get3A_16 {offsets = [0, 1], sizes = [2000, 1], strides = [1, 1]} : vector<2000x4xf32> to vector<2000x1xf32>
    %mul3A_30 = arith.constant 5.000000e-01 : f32
    %mul3A_31 = vector.broadcast %mul3A_30 : f32 to vector<2000x1xf32>
    %mul3A_32 = arith.mulf %mul3A_31, %sub3A_25 : vector<2000x1xf32>
    %add3A_33 = arith.addf %slice3A_29, %mul3A_32 : vector<2000x1xf32>
    %slice3A_34 = vector.extract_strided_slice %get3A_21 {offsets = [0, 0], sizes = [2000, 1], strides = [1, 1]} : vector<2000x4xf32> to vector<2000x1xf32>
    %mul3A_35 = arith.constant 1.000000e-01 : f32
    %mul3A_36 = vector.broadcast %mul3A_35 : f32 to vector<2000x1xf32>
    %mul3A_37 = arith.mulf %slice3A_34, %mul3A_36 : vector<2000x1xf32>
    %mul3A_38 = arith.mulf %mul3A_37, %sub3A : vector<2000x1xf32>
    %add3A_39 = arith.addf %add3A, %mul3A_38 : vector<2000x1xf32>
    %slice3A_40 = vector.extract_strided_slice %get3A_21 {offsets = [0, 1], sizes = [2000, 1], strides = [1, 1]} : vector<2000x4xf32> to vector<2000x1xf32>
    %mul3A_41 = arith.constant 1.000000e-01 : f32
    %mul3A_42 = vector.broadcast %mul3A_41 : f32 to vector<2000x1xf32>
    %mul3A_43 = arith.mulf %slice3A_40, %mul3A_42 : vector<2000x1xf32>
    %mul3A_44 = arith.mulf %mul3A_43, %sub3A_25 : vector<2000x1xf32>
    %add3A_45 = arith.addf %add3A_33, %mul3A_44 : vector<2000x1xf32>
    %slice3A_46 = vector.extract_strided_slice %get3A_21 {offsets = [0, 2], sizes = [2000, 1], strides = [1, 1]} : vector<2000x4xf32> to vector<2000x1xf32>
    %mul3A_47 = arith.constant 2.000000e-01 : f32
    %mul3A_48 = vector.broadcast %mul3A_47 : f32 to vector<2000x1xf32>
    %mul3A_49 = arith.mulf %slice3A_46, %mul3A_48 : vector<2000x1xf32>
    %exp3A = math.exp %mul3A_49 : vector<2000x1xf32>
    %mul3A_50 = arith.mulf %exp3A, %sub3A : vector<2000x1xf32>
    %slice3A_51 = vector.extract_strided_slice %get3A_21 {offsets = [0, 3], sizes = [2000, 1], strides = [1, 1]} : vector<2000x4xf32> to vector<2000x1xf32>
    %mul3A_52 = arith.constant 2.000000e-01 : f32
    %mul3A_53 = vector.broadcast %mul3A_52 : f32 to vector<2000x1xf32>
    %mul3A_54 = arith.mulf %slice3A_51, %mul3A_53 : vector<2000x1xf32>
    %exp3A_55 = math.exp %mul3A_54 : vector<2000x1xf32>
    %mul3A_56 = arith.mulf %exp3A_55, %sub3A_25 : vector<2000x1xf32>
    %mul3A_57 = arith.constant 5.000000e-01 : f32
    %mul3A_58 = vector.broadcast %mul3A_57 : f32 to vector<2000x1xf32>
    %mul3A_59 = arith.mulf %mul3A_58, %mul3A_50 : vector<2000x1xf32>
    %sub3A_60 = arith.subf %add3A_39, %mul3A_59 : vector<2000x1xf32>
    %jit3A_61 = arith.constant 0.000000e+00 : f32
    %jit3A_62 = arith.constant 5.120000e+02 : f32
    %max3A = vector.broadcast %jit3A_61 : f32 to vector<2000x1xf32>
    %max3A_63 = arith.maximumf %max3A, %sub3A_60 : vector<2000x1xf32>
    %min3A = vector.broadcast %jit3A_62 : f32 to vector<2000x1xf32>
    %min3A_64 = arith.minimumf %min3A, %max3A_63 : vector<2000x1xf32>
    %mul3A_65 = arith.constant 5.000000e-01 : f32
    %mul3A_66 = vector.broadcast %mul3A_65 : f32 to vector<2000x1xf32>
    %mul3A_67 = arith.mulf %mul3A_66, %mul3A_56 : vector<2000x1xf32>
    %sub3A_68 = arith.subf %add3A_45, %mul3A_67 : vector<2000x1xf32>
    %jit3A_69 = arith.constant 0.000000e+00 : f32
    %jit3A_70 = arith.constant 5.120000e+02 : f32
    %max3A_71 = vector.broadcast %jit3A_69 : f32 to vector<2000x1xf32>
    %max3A_72 = arith.maximumf %max3A_71, %sub3A_68 : vector<2000x1xf32>
    %min3A_73 = vector.broadcast %jit3A_70 : f32 to vector<2000x1xf32>
    %min3A_74 = arith.minimumf %min3A_73, %max3A_72 : vector<2000x1xf32>
    %mul3A_75 = arith.constant 5.000000e-01 : f32
    %mul3A_76 = vector.broadcast %mul3A_75 : f32 to vector<2000x1xf32>
    %mul3A_77 = arith.mulf %mul3A_76, %mul3A_50 : vector<2000x1xf32>
    %add3A_78 = arith.addf %add3A_39, %mul3A_77 : vector<2000x1xf32>
    %jit3A_79 = arith.constant 0.000000e+00 : f32
    %jit3A_80 = arith.constant 5.120000e+02 : f32
    %max3A_81 = vector.broadcast %jit3A_79 : f32 to vector<2000x1xf32>
    %max3A_82 = arith.maximumf %max3A_81, %add3A_78 : vector<2000x1xf32>
    %min3A_83 = vector.broadcast %jit3A_80 : f32 to vector<2000x1xf32>
    %min3A_84 = arith.minimumf %min3A_83, %max3A_82 : vector<2000x1xf32>
    %mul3A_85 = arith.constant 5.000000e-01 : f32
    %mul3A_86 = vector.broadcast %mul3A_85 : f32 to vector<2000x1xf32>
    %mul3A_87 = arith.mulf %mul3A_86, %mul3A_56 : vector<2000x1xf32>
    %add3A_88 = arith.addf %add3A_45, %mul3A_87 : vector<2000x1xf32>
    %jit3A_89 = arith.constant 0.000000e+00 : f32
    %jit3A_90 = arith.constant 5.120000e+02 : f32
    %max3A_91 = vector.broadcast %jit3A_89 : f32 to vector<2000x1xf32>
    %max3A_92 = arith.maximumf %max3A_91, %add3A_88 : vector<2000x1xf32>
    %min3A_93 = vector.broadcast %jit3A_90 : f32 to vector<2000x1xf32>
    %min3A_94 = arith.minimumf %min3A_93, %max3A_92 : vector<2000x1xf32>
    %get3A_95 = arith.constant 0 : index
    %get3A_96 = arith.constant 0 : index
    %get3A_97 = vector.load %arg2[%get3A_95, %get3A_96] : memref<8x128xf32, #tpu.memory_space<vmem>>, vector<1x1xf32>
    %get3A_98 = vector.extract %get3A_97[0, 0] : f32 from vector<1x1xf32>
    %gt3A = vector.broadcast %get3A_98 : f32 to vector<2000x1xf32>
    %gt3A_99 = arith.cmpf ogt, %broadcast_in_dim3A, %gt3A : vector<2000x1xf32>
    %convert_element_type3A_100 = arith.extui %gt3A_99 : vector<2000x1xi1> to vector<2000x1xi32>
    %convert_element_type3A_101 = arith.sitofp %convert_element_type3A_100 : vector<2000x1xi32> to vector<2000x1xf32>
    %convert_element_type3A_102 = arith.sitofp %broadcast_in_dim3A_11 : vector<2000x1xi32> to vector<2000x1xf32>
    %concatenate3A = tpu.concatenate %min3A_64, %min3A_74, %min3A_84, %min3A_94, %broadcast_in_dim3A, %convert_element_type3A_102, %convert_element_type3A_101 in 1 : vector<2000x1xf32>, vector<2000x1xf32>, vector<2000x1xf32>, vector<2000x1xf32>, vector<2000x1xf32>, vector<2000x1xf32>, vector<2000x1xf32> -> vector<2000x7xf32>
    %transpose3A = tpu.transpose %concatenate3A, [1, 0] : vector<2000x7xf32> -> vector<7x2000xf32>
    %slice3A_103 = vector.extract_strided_slice %transpose3A {offsets = [6, 0], sizes = [1, 2000], strides = [1, 1]} : vector<7x2000xf32> to vector<1x2000xf32>
    %get3A_104 = arith.constant 0 : index
    %get3A_105 = arith.constant 0 : index
    %get3A_106 = vector.load %arg8[%get3A_104, %get3A_105] : memref<2000x2000xf32, #tpu.memory_space<vmem>>, vector<2000x2000xf32>
    %dot_general3A = arith.constant dense<0.000000e+00> : vector<1x2000xf32>
    %dot_general3A_107 = tpu.matmul %slice3A_103, %get3A_106, %dot_general3A {dimension_numbers = #tpu.dot_dimension_numbers<[1], [0], [0], [1], [0, 0, 1, 1], [], []>, transpose_lhs_hint = false} : vector<1x2000xf32>, vector<2000x2000xf32>, vector<1x2000xf32> -> vector<1x2000xf32>
    %get3A_108 = arith.constant 0 : index
    %get3A_109 = memref.load %arg7[%get3A_108] : memref<1xf32, #tpu.memory_space<smem>>
    %add3A_110 = vector.broadcast %get3A_109 : f32 to vector<1x2000xf32>
    %add3A_111 = arith.addf %dot_general3A_107, %add3A_110 : vector<1x2000xf32>
    %get3A_112 = arith.constant 0 : index
    %get3A_113 = memref.load %arg7[%get3A_112] : memref<1xf32, #tpu.memory_space<smem>>
    %reduce_sum3A = vector.shape_cast %convert_element_type3A_101 : vector<2000x1xf32> to vector<1x2000x1xf32>
    %reduce_sum3A_114 = arith.constant dense<0.000000e+00> : vector<1xf32>
    %reduce_sum3A_115 = vector.multi_reduction <add>, %reduce_sum3A, %reduce_sum3A_114 [1, 2] : vector<1x2000x1xf32> to vector<1xf32>
    %reduce_sum3A_116 = vector.shape_cast %reduce_sum3A_115 : vector<1xf32> to vector<1x1x1xf32>
    %reduce_sum3A_117 = vector.extract %reduce_sum3A_116[0, 0, 0] : f32 from vector<1x1x1xf32>
    %add3A_118 = arith.addf %get3A_113, %reduce_sum3A_117 : f32
    %swap3A = arith.constant 0 : index
    %swap3A_119 = memref.load %arg7[%swap3A] : memref<1xf32, #tpu.memory_space<smem>>
    memref.store %add3A_118, %arg7[%swap3A] : memref<1xf32, #tpu.memory_space<smem>>
    %slice3A_120 = vector.extract_strided_slice %transpose3A {offsets = [0, 0], sizes = [6, 2000], strides = [1, 1]} : vector<7x2000xf32> to vector<6x2000xf32>
    %concatenate3A_121 = tpu.concatenate %slice3A_120, %add3A_111, %slice3A_103 in 0 : vector<6x2000xf32>, vector<1x2000xf32>, vector<1x2000xf32> -> vector<8x2000xf32>
    %swap3A_122 = arith.constant 0 : index
    %swap3A_123 = arith.constant 0 : index
    %swap3A_124 = arith.constant 0 : index
    %swap3A_125 = vector.load %arg6[%swap3A_122, %swap3A_123, %swap3A_124] : memref<1x8x2000xf32, #tpu.memory_space<vmem>>, vector<1x8x2000xf32>
    %swap3A_126 = vector.shape_cast %swap3A_125 : vector<1x8x2000xf32> to vector<8x2000xf32>
    %swap3A_127 = vector.shape_cast %concatenate3A_121 : vector<8x2000xf32> to vector<1x8x2000xf32>
    tpu.vector_store %arg6[%swap3A_122, %swap3A_123, %swap3A_124], %swap3A_127 {strides = array<i32>} : memref<1x8x2000xf32, #tpu.memory_space<vmem>>, vector<1x8x2000xf32>,
    return
  }
  func.func @transform_0(%arg0: i32, %arg1: i32) -> (i32, i32) {
    %c0_i32 = arith.constant 0 : i32
    %c0_i32_0 = arith.constant 0 : i32
    %c0_i32_1 = arith.constant 0 : i32
    return %c0_i32, %c0_i32_0 : i32, i32
  }
  func.func @transform_1(%arg0: i32, %arg1: i32) -> (i32, i32, i32) {
    %c0_i32 = arith.constant 0 : i32
    %c0_i32_0 = arith.constant 0 : i32
    return %arg0, %arg1, %c0_i32 : i32, i32, i32
  }
  func.func @transform_2(%arg0: i32, %arg1: i32) -> (i32, i32, i32) {
    %c0_i32 = arith.constant 0 : i32
    %c0_i32_0 = arith.constant 0 : i32
    return %arg0, %arg1, %c0_i32 : i32, i32, i32
  }
  func.func @transform_3(%arg0: i32, %arg1: i32) -> (i32, i32, i32) {
    %c0_i32 = arith.constant 0 : i32
    %c0_i32_0 = arith.constant 0 : i32
    return %arg0, %arg1, %c0_i32 : i32, i32, i32
  }
  func.func @transform_4(%arg0: i32, %arg1: i32) -> (i32, i32, i32) {
    %mul3A = arith.constant 10 : i32
    %mul3A_0 = arith.muli %arg0, %mul3A : i32
    %add3A = arith.addi %mul3A_0, %arg1 : i32
    %c0_i32 = arith.constant 0 : i32
    %c0_i32_1 = arith.constant 0 : i32
    %c0_i32_2 = arith.constant 0 : i32
    return %add3A, %c0_i32, %c0_i32_1 : i32, i32, i32
  }
}

</mosaic_0001>

<sc_bundles>
// kernel: kernel.4.cloned.1.call-start
scs
__scs_entry_jumppad:
0x0: {  	(pc) =	sbr.rel $0x88, $3  }
0x1: {  	(tag) =	ssettag $0x0;
	lr =	simm.s32 $0x1  }
0x2: {  	[smem:$0x3F9D] =	sst lr;
	_ =	strace $0xD0000000  }
0x3: {  	_ = 	snop  }
0x4: {  	_ = 	snop  }
0x5: {  	_ = 	snop  }
0x6: {  	_ = 	snop  }
0x7: {  	_ = 	snop  }
__scs_overlays_trampoline_lowered:
0x8: {  	[smem:$0x3FAC] =	sst s0  }
0x9: {  	[smem:$0x3FAD] =	sst s1  }
0xa: {  	[smem:$0x3FAE] =	sst s2  }
0xb: {  	[smem:$0x3FAF] =	sst s3  }
0xc: {  	[smem:$0x3FB0] =	sst s4  }
0xd: {  	[smem:$0x3FB1] =	sst s5  }
0xe: {  	[smem:$0x3FB2] =	sst s6  }
0xf: {  	[smem:$0x3FB3] =	sst s7  }
0x10: {  	[smem:$0x3FB4] =	sst s8  }
0x11: {  	[smem:$0x3FB5] =	sst s9;
	s0 =	simm.s32 @!p0 $0x0  }
0x12: {  	s1 =	sld [smem:$0x3F9B];
	s0 =	simm.s32 @p0 $0x1  }
0x13: {  	[smem:$0x3FB6] =	sst s0;
	s0 =	simm.s32 @!p1 $0x0  }
0x14: {  	s2 =	sld [smem:$0x3F9A];
	s0 =	simm.s32 @p1 $0x1  }
0x15: {  	[smem:$0x3FB7] =	sst s0;
	s0 =	simm.s32 @!p2 $0x0  }
0x16: {  	s3 =	sld [smem:$0x3FDB];
	s0 =	simm.s32 @p2 $0x1  }
0x17: {  	s4 =	simm.s32 $0x1BF5;
	[smem:$0x3FB9] =	sst s0  }
0x18: {  	s0 =	sld [smem:$0x3F9C];
	_ =	swait.ge [sflag:s4], $0x0  }
0x19: {  	s7 =	sld [smem:$0x3F9D]  }
0x1a: {  	s8 =	sadd.s32 $0xFFFFE003, lr  }
0x1b: {  	s9 =	sadd.s32 $0xFFFFFEF7, lr;
	s5 =	simm.s32 $0xFFFFFFFF;
	p2 =	slt.u32 s8, $0xFFFFF086  }
0x1c: {  	p1 =	slt.u32 s9, $0xF7A;
	s5 =	simm.s32 @!p2 $0x0  }
0x1d: {  	s5 =	simm.s32 @p1 $0x1;
	p0 =	seq.s32 s7, s2  }
0x1e: {  	s7 =	smul.u32 @!p0 $0xF7A, s2;
	p2 =	seq.s32 @!p0 s5, $0x0  }
0x1f: {  	s9 =	smul.u32 $0xF7A, s1;
	s8 =	simm.s32 @!p0 $0x1BF5;
	p2 =	por !p2, p0  }
0x20: {  	[sflag:s8] =	ssyncset.s32 @!p0 $0xFFFFF086;
	s6 =	sadd.s32 @!p0 s3, s7;
	s7 =	simm.s32 @!p0 $0x108  }
0x21: {  	s3 =	sadd.s32 s3, s9;
	s6 =	sadd.s32 @!p0 $0x88, s6;
	s7 =	simm.s32 @p2 $0x1082  }
0x22: {  	[simem:s7], [sflag:s8] =	dma.local @!p0 [hbm:s6], $0xF7A  }
0x23: {  	s9 =	sor.u32 $0xD0000000, s2;
	s6 =	simm.s32 $0x108;
	_ =	swait.ge @!p0 [sflag:s8], $0x0  }
0x24: {  	s3 =	sadd.s32 $0x88, s3;
	s6 =	simm.s32 @!p1 $0x1082;
	[sflag:s4] =	ssyncset.s32 $0xFFFFF086  }
0x25: {  	[simem:s6], [sflag:s4] =	dma.local [hbm:s3], $0xF7A  }
0x26: {  	[smem:$0x3F9D] =	sst s1;
	(tag) =	ssettag s2;
	_ =	strace s9  }
0x27: {  	s1 =	sld [smem:$0x3FAD]  }
0x28: {  	s2 =	sld [smem:$0x3FAE]  }
0x29: {  	s4 =	sld [smem:$0x3FB0]  }
0x2a: {  	p0 =	seq.s32 s5, $0x0;
	s5 =	sld [smem:$0x3FB1]  }
0x2b: {  	s6 =	sld [smem:$0x3FB2]  }
0x2c: {  	s7 =	sld [smem:$0x3FB3]  }
0x2d: {  	s3 =	simm.s32 $0x108;
	s8 =	sld [smem:$0x3FB4]  }
0x2e: {  	s3 =	simm.s32 @!p0 $0x1082;
	s9 =	sld [smem:$0x3FB5]  }
0x2f: {  	lr =	sadd.s32 s0, s3;
	s0 =	sld [smem:$0x3FAC]  }
0x30: {  	s3 =	sld [smem:$0x3FAF]  }
0x31: {  	[smem:$0x3FB8] =	sst s10  }
0x32: {  	s10 =	sld [smem:$0x3FB6];
	_ =	sdelay $0x3  }
0x33: {  	p0 =	seq.s32 s10, $0x1;
	s10 =	sld [smem:$0x3FB8];
	_ =	sdelay $0x3  }
0x34: {  	[smem:$0x3FB8] =	sst s10  }
0x35: {  	s10 =	sld [smem:$0x3FB7];
	_ =	sdelay $0x3  }
0x36: {  	p1 =	seq.s32 s10, $0x1;
	s10 =	sld [smem:$0x3FB8];
	_ =	sdelay $0x3  }
0x37: {  	[smem:$0x3FB8] =	sst s10  }
0x38: {  	s10 =	sld [smem:$0x3FB9]  }
0x39: {  	_ = 	snop;
	(pc) =	sbr.ind lr, $3  }
0x3a: {  	_ = 	snop  }
0x3b: {  	_ = 	snop  }
0x3c: {  	p2 =	seq.s32 s10, $0x1;
	s10 =	sld [smem:$0x3FB8]  }
0x3d: {  	_ =	shalt  }
0x3e: {  	_ =	shalt  }
0x3f: {  	_ =	shalt  }
0x40: {  	_ =	shalt  }
0x41: {  	_ =	shalt  }
0x42: {  	_ =	shalt  }
0x43: {  	_ =	shalt  }
0x44: {  	_ =	shalt  }
0x45: {  	_ =	shalt  }
0x46: {  	_ =	shalt  }
0x47: {  	_ =	shalt  }
0x48: {  	_ =	shalt  }
0x49: {  	_ =	shalt  }
0x4a: {  	_ =	shalt  }
0x4b: {  	_ =	shalt  }
0x4c: {  	_ =	shalt  }
0x4d: {  	_ =	shalt  }
0x4e: {  	_ =	shalt  }
0x4f: {  	_ =	shalt  }
0x50: {  	_ =	shalt  }
0x51: {  	_ =	shalt  }
0x52: {  	_ =	shalt  }
0x53: {  	_ =	shalt  }
0x54: {  	_ =	shalt  }
0x55: {  	_ =	shalt  }
0x56: {  	_ =	shalt  }
0x57: {  	_ =	shalt  }
0x58: {  	_ =	shalt  }
0x59: {  	_ =	shalt  }
0x5a: {  	_ =	shalt  }
0x5b: {  	_ =	shalt  }
0x5c: {  	_ =	shalt  }
0x5d: {  	_ =	shalt  }
0x5e: {  	_ =	shalt  }
0x5f: {  	_ =	shalt  }
0x60: {  	_ =	shalt  }
0x61: {  	_ =	shalt  }
0x62: {  	_ =	shalt  }
0x63: {  	_ =	shalt  }
0x64: {  	_ =	shalt  }
0x65: {  	_ =	shalt  }
0x66: {  	_ =	shalt  }
0x67: {  	_ =	shalt  }
0x68: {  	_ =	shalt  }
0x69: {  	_ =	shalt  }
0x6a: {  	_ =	shalt  }
0x6b: {  	_ =	shalt  }
0x6c: {  	_ =	shalt  }
0x6d: {  	_ =	shalt  }
0x6e: {  	_ =	shalt  }
0x6f: {  	_ =	shalt  }
0x70: {  	_ =	shalt  }
0x71: {  	_ =	shalt  }
0x72: {  	_ =	shalt  }
0x73: {  	_ =	shalt  }
0x74: {  	_ =	shalt  }
0x75: {  	_ =	shalt  }
0x76: {  	_ =	shalt  }
0x77: {  	_ =	shalt  }
0x78: {  	_ =	shalt  }
0x79: {  	_ =	shalt  }
0x7a: {  	_ =	shalt  }
0x7b: {  	_ =	shalt  }
0x7c: {  	_ =	shalt  }
0x7d: {  	_ =	shalt  }
0x7e: {  	_ =	shalt  }
0x7f: {  	_ =	shalt  }
0x80: {  	_ =	shalt  }
0x81: {  	_ =	shalt  }
0x82: {  	_ =	shalt  }
0x83: {  	_ =	shalt  }
0x84: {  	_ =	shalt  }
0x85: {  	_ =	shalt  }
0x86: {  	_ =	shalt  }
0x87: {  	_ =	shalt  }
.Lfunc_end0:
.L_simem_size_0:
called_computation_lowered:
.L_overlay_start_0:
0x88: {  	s2 =	sld [smem:$0x3FD9]  }
0x89: {  	s3 =	sld [smem:$0x3FFE];
	_ =	sdelay $0x1  }
0x8a: {  	s1 =	srdreg.scid  }
0x8b: {  	s0 =	sand.u32 $0x1, s1  }
0x8c: {  	s16 =	sshll.u32 s0, $0xA;
	s2 =	sadd.s32 s3, s2  }
0x8d: {  	s2 =	sadd.s32 s2, s16  }
0x8e: {  	[smem:$0x3FC4] =	sst s2  }
0x8f: {  	_ = 	snop  }
0x90: {  	(tm) =	ssettm $0x1  }
0x91: {  	s17 =	sld [smem:$0x3FFB];
	_ =	sdelay $0x3  }
0x92: {  	_ =	strace s17  }
0x93: {  	s2 =	sld [smem:$0x3FFC];
	_ =	sdelay $0x3  }
0x94: {  	_ =	strace s2  }
0x95: {  	s2 =	sld [smem:$0x3FFD];
	_ =	sdelay $0x3  }
0x96: {  	_ =	strace s2  }
0x97: {  	_ =	strace $0x8FFFFFFF  }
0x98: {  	s18 =	sld [smem:$0x3FDB];
	_ =	sdelay $0x1  }
0x99: {  	s19 =	simm.s32 $_scs_section_size  }
0x9a: {  	s4 =	simm.s32 $_size__tile_overlayer_lowered;
	s5 =	simm.s32 $_tile_overlayer_lowered  }
0x9b: {  	s22 =	simm.s32 $0x1BFF;
	s21 =	sshll.u32 s5, $0x1;
	s2 =	sadd.s32 s19, s18  }
0x9c: {  	s6 =	simm.s32 $0x0;
	s20 =	sshll.u32 s4, $0x1;
	s4 =	sadd.s32 s21, s2  }
0x9d: {  	[timem:s6], [sflag:s22] =	dma.local [hbm:s4], s20  }
0x9e: {  	_ =	swait.ge [sflag:s22], s20  }
0x9f: {  	s3 =	ssub.s32 $0x0, s20;
	[sflag:s22] =	ssyncset.done $0x0  }
0xa0: {  	[sflag:s22] =	ssyncadd.s32 s3;
	_ =	sdelay $0x1  }
0xa1: {  	s23 =	simm.s32 $0x1B8B  }
0xa2: {  	_ =	swait.ge [sflag:s23], $0x1  }
0xa3: {  	[sflag:s23] =	ssyncset.done $0x0  }
0xa4: {  	s25 =	simm.s32 $0x1B8E;
	s24 =	sld [smem:$0x3FFE];
	[sflag:s23] =	ssyncadd.s32 $0xFFFFFFFF  }
0xa5: {  	s26 =	simm.s32 $execute0_lowered;
	[smem:$0x3FD2] =	sst s25  }
0xa6: {  	s4 =	sshll.u32 s26, $0x1;
	_ =	strace $0x80000046;
	[dreg:$0x1] =	wrdreg $0xFFFFFFFF  }
0xa7: {  	s28 =	simm.s32 $_size_execute0_lowered;
	s2 =	sadd.s32 s2, s4;
	[dreg:$0x0] =	wrdreg $0x0  }
0xa8: {  	s4 =	sshll.u32 s28, $0x1;
	[dreg:$0x2] =	wrdreg s2  }
0xa9: {  	[dreg:$0x3] =	wrdreg s4  }
0xaa: {  	[dreg:$0x4] =	wrdreg $0xC0  }
0xab: {  	_ =	task [dreg:s6], $0x5FFFF  }
0xac: {  	[dreg:$0x1] =	wrdreg $0xFFFFFFFF  }
0xad: {  	[dreg:$0x0] =	wrdreg $0x60  }
0xae: {  	[dreg:$0x2] =	wrdreg s24  }
0xaf: {  	[dreg:$0x3] =	wrdreg $0x9  }
0xb0: {  	_ =	task.clear_ibuf [dreg:s6], $0x4FFFF;
	_ =	strace $0x90000046  }
0xb1: {  	s29 =	simm.s32 $0x9;
	_ =	strace $0x80000048  }
0xb2: {  	_ =	swait.ge [sflag:s29], $0x1  }
0xb3: {  	[sflag:s29] =	ssyncadd.s32 $0xFFFFFFFF  }
0xb4: {  	_ =	strace $0x90000048  }
0xb5: {  	_ =	sfence  }
0xb6: {  	s30 =	sld [smem:$0x0];
	_ =	sdelay $0x2  }
0xb7: {  	s31 =	sshll.u32 s1, $0xD;
	s1 =	sshrl.u32 s1, $0x2  }
0xb8: {  	s3 =	sand.u32 $0x4000, s31;
	s1 =	sadd.s32 s1, s30  }
0xb9: {  	s0 =	sor.u32 s3, s0;
	s1 =	sshll.u32 s1, $0x11  }
0xba: {  	s0 =	sor.u32 s1, s0  }
0xbb: {  	s0 =	sadd.s32 $0x8F2B, s0  }
0xbc: {  	[sflag:s0] =	ssyncadd.remote.s32 $0x1  }
0xbd: {  	_ =	sfence.sel $0xFFFF  }
0xbe: {  	[dreg:$0x0] =	wrdreg $0xFFFFFFFF;
	(pc) =	sbr.abs _section_cstart, $3  }
0xbf: {  	[dreg:$0x1] =	wrdreg $0xFFFFFFFF  }
0xc0: {  	_ =	task.clear_ibuf [dreg:s6], $0x2FFFF;
	_ =	strace $0x9FFFFFFF  }
0xc1: {  	(tm) =	ssettm $0x7FFFFFFF  }
tec
execute0_lowered:
.L_overlay_start_1:
0x0: {  	(tag) =	ssettag $0x1  }
0x1: {  	s0 =	rddreg [dreg:$0x0];
	s2 =	simm.s32 $0x0  }
0x2: {  	s1 =	srdreg.scid;
	s14 =	stileid.u32;
	s15 =	simm.s32 $0x7E80  }
0x3: {  	s16 =	simm.s32 $0x8400;
	s17 =	simm.s32 $0x6A80;
	s18 =	simm.s32 $0x8480  }
0x4: {  	s21 =	simm.s32 $0x7280;
	s28 =	simm.s32 $0x0;
	s4 =	smul.u32 $0x34, s14  }
0x5: {  	s1 =	sand.u32 $0x1, s1;
	s3 =	sshll.u32 s14, $0x1;
	s30 =	smul.u32 $0xFA0, s14  }
0x6: {  	s6 =	sor.u32 s1, s3;
	s5 =	ssub.s32 $0x2, s1;
	s1 =	smul.u32 $0x7D0, s1  }
0x7: {  	[smem:$0x7FF] =	sst s2;
	s8 =	sadd.s32 $0x600, s0;
	s24 =	smul.u32 $0x7D0, s6  }
0x8: {  	p0 =	sgt.u32 s14, $0x3;
	s7 =	sshrl.u32 s4, $0x8;
	s26 =	smul.u32 $0x30, s6  }
0x9: {  	s14 =	simm.s32 $0x80;
	_ =	strace $0x80000047;
	s10 =	smul.u32 $0x27100, s7  }
0xa: {  	s3 =	sadd.s32 $0x14000, s0;
	s12 =	sor.u32 $0x20, s6;
	s11 =	smul.u32 $0x4E20, s7  }
0xb: {  	s0 =	sadd.s32 $0x13D84, s0;
	s9 =	sshrl.u32 s5, $0x1;
	s13 =	smul.u32 $0x7D0, s12  }
0xc: {  	[dreg:$0x3] =	wrdreg s0;
	s9 =	ssub.s32 s5, s9;
	s29 =	smul.u32 $0x30, s12  }
0xd: {  	s7 =	smul.u32 $0xA, s7;
	s1 =	sadd.s32 s1, s30;
	s12 =	simm.s32 $0x6680  }
0xe: {  	s4 =	sadd.s32 s8, s24;
	s20 =	sadd.s32 $0x13880, s26;
	s22 =	sadd.s32 $0x13890, s26  }
0xf: {  	s23 =	sadd.s32 $0x138A0, s26;
	s24 =	simm.s32 $0x8600;
	s25 =	sshrl.u32 s10, $0x3  }
0x10: {  	s19 =	scvt.s32.f32 s11;
	s31 =	sadd.s32 $0x13880, s29;
	s26 =	sadd.s32 $0x138A0, s29  }
0x11: {  	v0 =	vlaneseq.u32;
	s6 =	ssub.s32 s6, s7;
	s10 =	sadd.s32 $0xFA0, s1;
	s11 =	simm.s32 $0x2  }
0x12: {  	s1 =	simm.s32 $0x8300;
	s7 =	simm.s32 $0x8380;
	v2 =	vor.u32 s20, v0;
	s20 =	simm.s32 $0x8500  }
.Ltmp0:
0x13: {  	v3 =	vor.u32 s22, v0;
	v4 =	vor.u32 s23, v0;
	s22 =	simm.s32 $0x8580;
	s23 =	simm.s32 $0x7680;
	(pc) =	sbr.rel .LBB2_1-.Ltmp0, $4  }
0x14: {  	s5 =	sadd.s32 s8, s25;
	s8 =	sadd.s32 s8, s13;
	s25 =	sadd.s32 $0x13890, s29  }
0x15: {  	s13 =	simm.s32 $0x3E80;
	v7 =	vor.u32 s26, v0;
	s26 =	simm.s32 $0x1;
	s5 =	sadd.s32 $0x4D24, s5  }
0x16: {  	v8 =	vmul.u32 $0x8, v0;
	[dreg:$0x2] =	wrdreg s8;
	s8 =	smax.u32 s9, $0x1;
	s9 =	smul.u32 $0x7D0, s6  }
0x17: {  	v5 =	vor.u32 s31, v0;
	s6 =	simm.s32 $0x6280;
	v1 =	vmov s19;
	s19 =	simm.s32 $0x6E80;
	v6 =	vor.u32 s25, v0;
	s25 =	simm.s32 $0x7A80  }
.LBB2_38:
0x18: {  	_ =	sdelay $0x3  }
0x19: {  	[tilespmem:v9+s13+$0x0] =	vst.idx.msk $0xffff, v10  }
0x1a: {  	[hbm4b:s3+s14] =	stream.indirect.scatter [tilespmem:s13], [sflag:$0x1], $0x8, s15, s14, $0xb8;
	[tilespmem:$0x8690] =	vst v63  }
0x1b: {  	s0 =	simm.s32 $0x7F00;
	s29 =	simm.s32 $0x4280  }
0x1c: {  	[hbm4b:s3+s14] =	stream.indirect.scatter [tilespmem:s29], [sflag:$0x1], $0x8, s0, s14, $0xb8;
	[tilespmem:$0x8690] =	vst v63  }
0x1d: {  	s30 =	simm.s32 $0x7F80;
	s31 =	simm.s32 $0x4680  }
0x1e: {  	[hbm4b:s3+s14] =	stream.indirect.scatter [tilespmem:s31], [sflag:$0x1], $0x8, s30, s14, $0xb8;
	[tilespmem:$0x8690] =	vst v63  }
0x1f: {  	s30 =	simm.s32 $0x8000;
	s31 =	simm.s32 $0x4A80  }
0x20: {  	[hbm4b:s3+s14] =	stream.indirect.scatter [tilespmem:s31], [sflag:$0x1], $0x8, s30, s14, $0xb8;
	[tilespmem:$0x8690] =	vst v63  }
0x21: {  	s30 =	simm.s32 $0x8080;
	s31 =	simm.s32 $0x4E80  }
0x22: {  	[hbm4b:s3+s14] =	stream.indirect.scatter [tilespmem:s31], [sflag:$0x1], $0x8, s30, s14, $0xb8;
	[tilespmem:$0x8690] =	vst v63  }
0x23: {  	s30 =	simm.s32 $0x8100;
	s31 =	simm.s32 $0x5280  }
0x24: {  	[hbm4b:s3+s14] =	stream.indirect.scatter [tilespmem:s31], [sflag:$0x1], $0x8, s30, s14, $0xb8;
	[tilespmem:$0x8690] =	vst v63  }
0x25: {  	s30 =	simm.s32 $0x8180;
	s31 =	simm.s32 $0x5680  }
0x26: {  	[hbm4b:s3+s14] =	stream.indirect.scatter [tilespmem:s31], [sflag:$0x1], $0x8, s30, s14, $0xb8;
	[tilespmem:$0x8690] =	vst v63  }
0x27: {  	s30 =	simm.s32 $0x8200;
	s31 =	simm.s32 $0x5A80  }
0x28: {  	[hbm4b:s3+s14] =	stream.indirect.scatter [tilespmem:s31], [sflag:$0x1], $0x8, s30, s14, $0xb8;
	[tilespmem:$0x8690] =	vst v63  }
0x29: {  	s30 =	simm.s32 $0x8280;
	s31 =	simm.s32 $0x5E80  }
0x2a: {  	[hbm4b:s3+s14] =	stream.indirect.scatter [tilespmem:s31], [sflag:$0x1], $0x8, s30, s14, $0xb8;
	[tilespmem:$0x8690] =	vst v63  }
0x2b: {  	_ = 	snop  }
0x2c: {  	[hbm4b:s3+s14] =	stream.indirect.scatter [tilespmem:s6], [sflag:$0x1], $0x8, s1, s14, $0xb8;
	[tilespmem:$0x8690] =	vst v63  }
0x2d: {  	_ = 	snop  }
0x2e: {  	[hbm4b:s3+s14] =	stream.indirect.scatter [tilespmem:s12], [sflag:$0x1], $0x8, s7, s14, $0xb8;
	[tilespmem:$0x8690] =	vst v63  }
0x2f: {  	_ = 	snop  }
0x30: {  	[hbm4b:s3+s14] =	stream.indirect.scatter [tilespmem:s17], [sflag:$0x1], $0x8, s16, s14, $0xb8;
	[tilespmem:$0x8690] =	vst v63  }
0x31: {  	_ = 	snop  }
0x32: {  	[hbm4b:s3+s14] =	stream.indirect.scatter [tilespmem:s19], [sflag:$0x1], $0x8, s18, s14, $0xb8;
	[tilespmem:$0x8690] =	vst v63  }
0x33: {  	_ = 	snop  }
0x34: {  	[hbm4b:s3+s14] =	stream.indirect.scatter [tilespmem:s21], [sflag:$0x1], $0x8, s20, s14, $0xb8;
	[tilespmem:$0x8690] =	vst v63  }
0x35: {  	_ = 	snop  }
0x36: {  	[hbm4b:s3+s14] =	stream.indirect.scatter [tilespmem:s23], [sflag:$0x1], $0x8, s22, s14, $0xb8;
	[tilespmem:$0x8690] =	vst v63  }
0x37: {  	_ = 	snop  }
0x38: {  	[hbm4b:s3+s14] =	stream.indirect.scatter [tilespmem:s25], [sflag:$0x1], $0x8, s24, s14, $0xb8;
	[tilespmem:$0x8690] =	vst v63  }
0x39: {  	_ =	swait.ge [sflag:s26], $0x400  }
0x3a: {  	[sflag:s26] =	ssyncset.done $0x0  }
0x3b: {  	[sflag:s26] =	ssyncadd.s32 $0xFFFFFC00  }
0x3c: {  	_ =	swait.ge [sflag:s26], $0x400  }
0x3d: {  	[sflag:s26] =	ssyncset.done $0x0  }
0x3e: {  	[sflag:s26] =	ssyncadd.s32 $0xFFFFFC00  }
0x3f: {  	_ =	swait.ge [sflag:s26], $0x400  }
0x40: {  	[sflag:s26] =	ssyncset.done $0x0  }
0x41: {  	[sflag:s26] =	ssyncadd.s32 $0xFFFFFC00  }
0x42: {  	_ =	swait.ge [sflag:s26], $0x400  }
0x43: {  	[sflag:s26] =	ssyncset.done $0x0  }
0x44: {  	[sflag:s26] =	ssyncadd.s32 $0xFFFFFC00  }
0x45: {  	_ =	swait.ge [sflag:s26], $0x400  }
0x46: {  	[sflag:s26] =	ssyncset.done $0x0  }
0x47: {  	[sflag:s26] =	ssyncadd.s32 $0xFFFFFC00  }
0x48: {  	_ =	swait.ge [sflag:s26], $0x400  }
0x49: {  	[sflag:s26] =	ssyncset.done $0x0  }
0x4a: {  	[sflag:s26] =	ssyncadd.s32 $0xFFFFFC00  }
0x4b: {  	_ =	swait.ge [sflag:s26], $0x400  }
0x4c: {  	[sflag:s26] =	ssyncset.done $0x0  }
0x4d: {  	[sflag:s26] =	ssyncadd.s32 $0xFFFFFC00  }
0x4e: {  	_ =	swait.ge [sflag:s26], $0x400  }
0x4f: {  	[sflag:s26] =	ssyncset.done $0x0  }
0x50: {  	[sflag:s26] =	ssyncadd.s32 $0xFFFFFC00  }
0x51: {  	_ =	swait.ge [sflag:s26], $0x400  }
0x52: {  	[sflag:s26] =	ssyncset.done $0x0  }
0x53: {  	[sflag:s26] =	ssyncadd.s32 $0xFFFFFC00  }
0x54: {  	_ =	swait.ge [sflag:s26], $0x400  }
0x55: {  	[sflag:s26] =	ssyncset.done $0x0  }
0x56: {  	[sflag:s26] =	ssyncadd.s32 $0xFFFFFC00  }
0x57: {  	_ =	swait.ge [sflag:s26], $0x400  }
0x58: {  	[sflag:s26] =	ssyncset.done $0x0  }
0x59: {  	[sflag:s26] =	ssyncadd.s32 $0xFFFFFC00  }
0x5a: {  	_ =	swait.ge [sflag:s26], $0x400  }
0x5b: {  	[sflag:s26] =	ssyncset.done $0x0  }
0x5c: {  	[sflag:s26] =	ssyncadd.s32 $0xFFFFFC00  }
0x5d: {  	_ =	swait.ge [sflag:s26], $0x400  }
0x5e: {  	[sflag:s26] =	ssyncset.done $0x0  }
0x5f: {  	[sflag:s26] =	ssyncadd.s32 $0xFFFFFC00  }
0x60: {  	_ =	swait.ge [sflag:s26], $0x400  }
0x61: {  	[sflag:s26] =	ssyncset.done $0x0  }
0x62: {  	[sflag:s26] =	ssyncadd.s32 $0xFFFFFC00  }
0x63: {  	_ =	swait.ge [sflag:s26], $0x400  }
0x64: {  	[sflag:s26] =	ssyncset.done $0x0  }
0x65: {  	[sflag:s26] =	ssyncadd.s32 $0xFFFFFC00  }
0x66: {  	_ =	swait.ge [sflag:s26], $0x400  }
0x67: {  	[sflag:s26] =	ssyncset.done $0x0  }
0x68: {  	[sflag:s26] =	ssyncadd.s32 $0xFFFFFC00  }
.LBB2_39:
0x69: {  	s28 =	sadd.s32 $0x1, s28  }
0x6a: {  	p1 =	sne.s32 s28, s8  }
.Ltmp1:
0x6b: {  	_ = 	snop;
	(pc) =	sbr.rel @!p1 .LBB2_40-.Ltmp1, $1  }
0x6c: {  	_ =	sdelay $0x3  }
.LBB2_1:
0x6d: {  	[tilespmem:s2], [sflag:$0x2] =	stream.linear.gather [hbm4b:s4+s2], $0x3E80, $0x38;
	[tilespmem:$0x8690] =	vst v63  }
0x6e: {  	_ =	swait.ge [sflag:s11], $0x3E80  }
0x6f: {  	[sflag:s11] =	ssyncset.done $0x0  }
0x70: {  	s0 =	simm.s32 $0x8680;
	[sflag:s11] =	ssyncadd.s32 $0xFFFFC180  }
0x71: {  	[tilespmem:s0], [sflag:$0x2] =	stream.linear.gather [hbm4b:s5+s2], $0x10, $0x38;
	[tilespmem:$0x8690] =	vst v63  }
0x72: {  	_ =	swait.ge [sflag:s11], $0x10  }
0x73: {  	[sflag:s11] =	ssyncset.done $0x0  }
0x74: {  	[sflag:s11] =	ssyncadd.s32 $0xFFFFFFF0  }
0x75: {  	v9 =	vld [tilespmem:$0x8680];
	_ =	sdelay $0x4  }
0x76: {  	(xrf0) =	vmax.scan.msk.f32 $0xffff, v9;
	_ =	sdelay $0x4  }
0x77: {  	s0 =	simm.s32 $0x36B0  }
0x78: {  	v11 =	vor.u32 s9, v0;
	v10 =	vld [tilespmem:s0+$0xFFFFF830];
	v9, _, _ =	vpop (xrf0)  }
0x79: {  	v11 =	vcvt.s32.f32 v11;
	v12 =	vld [tilespmem:s0+$0x0];
	v9 =	vbroadcast v9, $0xF;
	_ =	sdelay $0x1  }
0x7a: {  	v11 =	vadd.f32 v11, v9;
	_ =	sdelay $0x1  }
0x7b: {  	v13 =	vadd.f32 $-1.000000000e+00, v10;
	v10 =	vsub.f32 v11, v10  }
0x7c: {  	vm0 =	vgt.f32 v12, $0.0e+00  }
0x7d: {  	v10 =	vsel vm0, v13, v10  }
0x7e: {  	v10 =	vadd.f32 v10, v1;
	_ =	sdelay $0x1  }
0x7f: {  	v10 =	vtrunc.f32 v10  }
0x80: {  	v10 =	vcvt.f32.s32 v10;
	_ =	sdelay $0x1  }
0x81: {  	s30 =	simm.s32 $0x36C0;
	s31 =	sadd.s32 $0x10, s9;
	[tilespmem:s15+$0x0] =	vst v10  }
0x82: {  	s29 =	simm.s32 $0x7E80;
	s0 =	simm.s32 $0x2;
	v11 =	vor.u32 s31, v0;
	v10 =	vld [tilespmem:s30+$0xFFFFF830]  }
.LBB2_2:
0x83: {  	p1 =	sne.s32 s0, $0x7C;
	v12 =	vld [tilespmem:s30+$0x0];
	v11 =	vcvt.s32.f32 v11;
	_ =	sdelay $0x1  }
0x84: {  	v11 =	vadd.f32 v11, v9;
	_ =	sdelay $0x1  }
0x85: {  	v13 =	vadd.f32 $-1.000000000e+00, v10;
	v10 =	vsub.f32 v11, v10  }
0x86: {  	vm0 =	vgt.f32 v12, $0.0e+00  }
0x87: {  	v10 =	vsel vm0, v13, v10  }
0x88: {  	v10 =	vadd.f32 v10, v1;
	_ =	sdelay $0x1  }
.Ltmp2:
0x89: {  	v10 =	vtrunc.f32 v10;
	(pc) =	sbr.rel @p1 .LBB2_2-.Ltmp2, $4  }
0x8a: {  	v10 =	vcvt.f32.s32 v10  }
0x8b: {  	s29 =	sadd.s32 $0x10, s29  }
0x8c: {  	s30 =	sadd.s32 $0x10, s30;
	s31 =	sadd.s32 $0x10, s31;
	[tilespmem:s29+$0x0] =	vst v10  }
0x8d: {  	s0 =	sadd.s32 $0x1, s0;
	v11 =	vor.u32 s31, v0;
	v10 =	vld [tilespmem:s30+$0xFFFFF830]  }
0x8e: {  	v12 =	vld [tilespmem:s30+$0x0];
	v11 =	vcvt.s32.f32 v11;
	_ =	sdelay $0x1  }
0x8f: {  	v9 =	vadd.f32 v11, v9;
	_ =	sdelay $0x1  }
0x90: {  	v11 =	vadd.f32 $-1.000000000e+00, v10;
	v9 =	vsub.f32 v9, v10  }
0x91: {  	vm0 =	vgt.f32 v12, $0.0e+00  }
0x92: {  	v9 =	vsel vm0, v11, v9  }
0x93: {  	v9 =	vadd.f32 v9, v1;
	_ =	sdelay $0x1  }
0x94: {  	v9 =	vtrunc.f32 v9  }
0x95: {  	v9 =	vcvt.f32.s32 v9  }
0x96: {  	s0 =	sadd.s32 $0x10, s29  }
0x97: {  	[tilespmem:s0+$0x0] =	vst v9  }
0x98: {  	s0 =	simm.s32 $0x0;
	[tilespmem:$0x8650] =	vst v2  }
0x99: {  	[tilespmem:$0x8660] =	vst v3;
	v9 =	vmov s0  }
0x9a: {  	[tilespmem:$0x8670] =	vst v4;
	v9 =	vshll.u32 v9, $0x3  }
0x9b: {  	s29 =	simm.s32 $0x10;
	v10 =	vld [tilespmem:s0+$0x0];
	v11 =	vor.u32 v8, v9  }
.LBB2_4:
0x9c: {  	p1 =	sne.s32 s29, $0x7C0  }
.Ltmp3:
0x9d: {  	_ = 	snop;
	(pc) =	sbr.rel @p1 .LBB2_4-.Ltmp3, $4  }
0x9e: {  	_ = 	snop  }
0x9f: {  	v12 =	vmov s29;
	s29 =	sadd.s32 $0x10, s29  }
0xa0: {  	s0 =	sadd.s32 $0x10, s0;
	v12 =	vshll.u32 v12, $0x3;
	[tilespmem:v11+s13+$0x0] =	vst.idx.msk $0xffff, v10  }
0xa1: {  	v11 =	vor.u32 v8, v12;
	v10 =	vld [tilespmem:s0+$0x0]  }
0xa2: {  	_ =	sdelay $0x3  }
0xa3: {  	s0 =	simm.s32 $0x7D0;
	[tilespmem:v11+s13+$0x0] =	vst.idx.msk $0xffff, v10;
	v10 =	vor.u32 v8, v9  }
0xa4: {  	s29 =	simm.s32 $0x10;
	v9 =	vld [tilespmem:s0+$0x0];
	v10 =	vor.u32 $0x1, v10  }
.LBB2_6:
0xa5: {  	p1 =	sne.s32 s29, $0x7C0  }
.Ltmp4:
0xa6: {  	_ = 	snop;
	(pc) =	sbr.rel @p1 .LBB2_6-.Ltmp4, $4  }
0xa7: {  	v11 =	vmov s29  }
0xa8: {  	v11 =	vshll.u32 v11, $0x3  }
0xa9: {  	s0 =	sadd.s32 $0x10, s0;
	v11 =	vor.u32 v8, v11;
	[tilespmem:v10+s13+$0x0] =	vst.idx.msk $0xffff, v9  }
0xaa: {  	s29 =	sadd.s32 $0x10, s29;
	v10 =	vor.u32 $0x1, v11;
	v9 =	vld [tilespmem:s0+$0x0]  }
0xab: {  	_ = 	snop  }
0xac: {  	s0 =	simm.s32 $0x0  }
0xad: {  	v11 =	vmov s0  }
0xae: {  	v11 =	vshll.u32 v11, $0x3  }
0xaf: {  	s0 =	simm.s32 $0xFA0;
	[tilespmem:v10+s13+$0x0] =	vst.idx.msk $0xffff, v9;
	v9 =	vor.u32 v8, v11  }
0xb0: {  	s29 =	simm.s32 $0x10;
	v10 =	vld [tilespmem:s0+$0x0];
	v11 =	vor.u32 $0x2, v9  }
.LBB2_8:
0xb1: {  	p1 =	sne.s32 s29, $0x7C0  }
.Ltmp5:
0xb2: {  	_ = 	snop;
	(pc) =	sbr.rel @p1 .LBB2_8-.Ltmp5, $4  }
0xb3: {  	v12 =	vmov s29  }
0xb4: {  	v12 =	vshll.u32 v12, $0x3  }
0xb5: {  	s0 =	sadd.s32 $0x10, s0;
	v12 =	vor.u32 v8, v12;
	[tilespmem:v11+s13+$0x0] =	vst.idx.msk $0xffff, v10  }
0xb6: {  	s29 =	sadd.s32 $0x10, s29;
	v11 =	vor.u32 $0x2, v12;
	v10 =	vld [tilespmem:s0+$0x0]  }
0xb7: {  	_ =	sdelay $0x3  }
0xb8: {  	s0 =	simm.s32 $0x1770;
	[tilespmem:v11+s13+$0x0] =	vst.idx.msk $0xffff, v10  }
0xb9: {  	s29 =	simm.s32 $0x10;
	v9 =	vor.u32 $0x3, v9;
	v10 =	vld [tilespmem:s0+$0x0]  }
.LBB2_10:
0xba: {  	p1 =	sne.s32 s29, $0x7C0  }
.Ltmp6:
0xbb: {  	_ = 	snop;
	(pc) =	sbr.rel @p1 .LBB2_10-.Ltmp6, $4  }
0xbc: {  	v11 =	vmov s29  }
0xbd: {  	v11 =	vshll.u32 v11, $0x3  }
0xbe: {  	s0 =	sadd.s32 $0x10, s0;
	v11 =	vor.u32 v8, v11;
	[tilespmem:v9+s13+$0x0] =	vst.idx.msk $0xffff, v10  }
0xbf: {  	s29 =	sadd.s32 $0x10, s29;
	v9 =	vor.u32 $0x3, v11;
	v10 =	vld [tilespmem:s0+$0x0]  }
0xc0: {  	_ = 	snop  }
0xc1: {  	s0 =	simm.s32 $0x0  }
0xc2: {  	v11 =	vmov s0  }
0xc3: {  	v11 =	vshll.u32 v11, $0x3  }
0xc4: {  	s0 =	simm.s32 $0x1F40;
	[tilespmem:v9+s13+$0x0] =	vst.idx.msk $0xffff, v10;
	v9 =	vor.u32 v8, v11  }
0xc5: {  	s29 =	simm.s32 $0x10;
	v10 =	vld [tilespmem:s0+$0x0];
	v11 =	vor.u32 $0x4, v9  }
.LBB2_12:
0xc6: {  	p1 =	sne.s32 s29, $0x7C0  }
.Ltmp7:
0xc7: {  	_ = 	snop;
	(pc) =	sbr.rel @p1 .LBB2_12-.Ltmp7, $4  }
0xc8: {  	v12 =	vmov s29  }
0xc9: {  	v12 =	vshll.u32 v12, $0x3  }
0xca: {  	s0 =	sadd.s32 $0x10, s0;
	v12 =	vor.u32 v8, v12;
	[tilespmem:v11+s13+$0x0] =	vst.idx.msk $0xffff, v10  }
0xcb: {  	s29 =	sadd.s32 $0x10, s29;
	v11 =	vor.u32 $0x4, v12;
	v10 =	vld [tilespmem:s0+$0x0]  }
0xcc: {  	_ =	sdelay $0x3  }
0xcd: {  	s0 =	simm.s32 $0x2710;
	[tilespmem:v11+s13+$0x0] =	vst.idx.msk $0xffff, v10  }
0xce: {  	s29 =	simm.s32 $0x10;
	v9 =	vor.u32 $0x5, v9;
	v10 =	vld [tilespmem:s0+$0x0]  }
.LBB2_14:
0xcf: {  	p1 =	sne.s32 s29, $0x7C0  }
.Ltmp8:
0xd0: {  	_ = 	snop;
	(pc) =	sbr.rel @p1 .LBB2_14-.Ltmp8, $4  }
0xd1: {  	v11 =	vmov s29  }
0xd2: {  	v11 =	vshll.u32 v11, $0x3  }
0xd3: {  	s0 =	sadd.s32 $0x10, s0;
	v11 =	vor.u32 v8, v11;
	[tilespmem:v9+s13+$0x0] =	vst.idx.msk $0xffff, v10  }
0xd4: {  	s29 =	sadd.s32 $0x10, s29;
	v9 =	vor.u32 $0x5, v11;
	v10 =	vld [tilespmem:s0+$0x0]  }
0xd5: {  	_ = 	snop  }
0xd6: {  	s0 =	simm.s32 $0x0  }
0xd7: {  	v11 =	vmov s0  }
0xd8: {  	v11 =	vshll.u32 v11, $0x3  }
0xd9: {  	s0 =	simm.s32 $0x2EE0;
	[tilespmem:v9+s13+$0x0] =	vst.idx.msk $0xffff, v10;
	v9 =	vor.u32 v8, v11  }
0xda: {  	s29 =	simm.s32 $0x10;
	v10 =	vld [tilespmem:s0+$0x0];
	v11 =	vor.u32 $0x6, v9  }
.LBB2_16:
0xdb: {  	p1 =	sne.s32 s29, $0x7C0  }
.Ltmp9:
0xdc: {  	_ = 	snop;
	(pc) =	sbr.rel @p1 .LBB2_16-.Ltmp9, $4  }
0xdd: {  	v12 =	vmov s29  }
0xde: {  	v12 =	vshll.u32 v12, $0x3  }
0xdf: {  	s0 =	sadd.s32 $0x10, s0;
	v12 =	vor.u32 v8, v12;
	[tilespmem:v11+s13+$0x0] =	vst.idx.msk $0xffff, v10  }
0xe0: {  	s29 =	sadd.s32 $0x10, s29;
	v11 =	vor.u32 $0x6, v12;
	v10 =	vld [tilespmem:s0+$0x0]  }
0xe1: {  	_ =	sdelay $0x3  }
0xe2: {  	s0 =	simm.s32 $0x36B0;
	[tilespmem:v11+s13+$0x0] =	vst.idx.msk $0xffff, v10  }
0xe3: {  	s29 =	simm.s32 $0x10;
	v9 =	vor.u32 $0x7, v9;
	v10 =	vld [tilespmem:s0+$0x0]  }
.LBB2_18:
0xe4: {  	p1 =	sne.s32 s29, $0x7C0  }
.Ltmp10:
0xe5: {  	_ = 	snop;
	(pc) =	sbr.rel @p1 .LBB2_18-.Ltmp10, $4  }
0xe6: {  	v11 =	vmov s29  }
0xe7: {  	v11 =	vshll.u32 v11, $0x3  }
0xe8: {  	s0 =	sadd.s32 $0x10, s0;
	v11 =	vor.u32 v8, v11;
	[tilespmem:v9+s13+$0x0] =	vst.idx.msk $0xffff, v10  }
0xe9: {  	s29 =	sadd.s32 $0x10, s29;
	v9 =	vor.u32 $0x7, v11;
	v10 =	vld [tilespmem:s0+$0x0]  }
0xea: {  	_ =	sdelay $0x3  }
0xeb: {  	[tilespmem:v9+s13+$0x0] =	vst.idx.msk $0xffff, v10  }
0xec: {  	[hbm4b:s3+s14] =	stream.indirect.scatter [tilespmem:s13], [sflag:$0x1], $0x8, s15, s14, $0xb8;
	[tilespmem:$0x8690] =	vst v63  }
0xed: {  	s0 =	simm.s32 $0x7F00;
	s29 =	simm.s32 $0x4280  }
0xee: {  	[hbm4b:s3+s14] =	stream.indirect.scatter [tilespmem:s29], [sflag:$0x1], $0x8, s0, s14, $0xb8;
	[tilespmem:$0x8690] =	vst v63  }
0xef: {  	s30 =	simm.s32 $0x7F80;
	s31 =	simm.s32 $0x4680  }
0xf0: {  	[hbm4b:s3+s14] =	stream.indirect.scatter [tilespmem:s31], [sflag:$0x1], $0x8, s30, s14, $0xb8;
	[tilespmem:$0x8690] =	vst v63  }
0xf1: {  	s30 =	simm.s32 $0x8000;
	s31 =	simm.s32 $0x4A80  }
0xf2: {  	[hbm4b:s3+s14] =	stream.indirect.scatter [tilespmem:s31], [sflag:$0x1], $0x8, s30, s14, $0xb8;
	[tilespmem:$0x8690] =	vst v63  }
0xf3: {  	s30 =	simm.s32 $0x8080;
	s31 =	simm.s32 $0x4E80  }
0xf4: {  	[hbm4b:s3+s14] =	stream.indirect.scatter [tilespmem:s31], [sflag:$0x1], $0x8, s30, s14, $0xb8;
	[tilespmem:$0x8690] =	vst v63  }
0xf5: {  	s30 =	simm.s32 $0x8100;
	s31 =	simm.s32 $0x5280  }
0xf6: {  	[hbm4b:s3+s14] =	stream.indirect.scatter [tilespmem:s31], [sflag:$0x1], $0x8, s30, s14, $0xb8;
	[tilespmem:$0x8690] =	vst v63  }
0xf7: {  	s30 =	simm.s32 $0x8180;
	s31 =	simm.s32 $0x5680  }
0xf8: {  	[hbm4b:s3+s14] =	stream.indirect.scatter [tilespmem:s31], [sflag:$0x1], $0x8, s30, s14, $0xb8;
	[tilespmem:$0x8690] =	vst v63  }
0xf9: {  	s30 =	simm.s32 $0x8200;
	s31 =	simm.s32 $0x5A80  }
0xfa: {  	[hbm4b:s3+s14] =	stream.indirect.scatter [tilespmem:s31], [sflag:$0x1], $0x8, s30, s14, $0xb8;
	[tilespmem:$0x8690] =	vst v63  }
0xfb: {  	s30 =	simm.s32 $0x8280;
	s31 =	simm.s32 $0x5E80  }
0xfc: {  	[hbm4b:s3+s14] =	stream.indirect.scatter [tilespmem:s31], [sflag:$0x1], $0x8, s30, s14, $0xb8;
	[tilespmem:$0x8690] =	vst v63  }
0xfd: {  	_ = 	snop  }
0xfe: {  	[hbm4b:s3+s14] =	stream.indirect.scatter [tilespmem:s6], [sflag:$0x1], $0x8, s1, s14, $0xb8;
	[tilespmem:$0x8690] =	vst v63  }
0xff: {  	_ = 	snop  }
0x100: {  	[hbm4b:s3+s14] =	stream.indirect.scatter [tilespmem:s12], [sflag:$0x1], $0x8, s7, s14, $0xb8;
	[tilespmem:$0x8690] =	vst v63  }
0x101: {  	_ = 	snop  }
0x102: {  	[hbm4b:s3+s14] =	stream.indirect.scatter [tilespmem:s17], [sflag:$0x1], $0x8, s16, s14, $0xb8;
	[tilespmem:$0x8690] =	vst v63  }
0x103: {  	_ = 	snop  }
0x104: {  	[hbm4b:s3+s14] =	stream.indirect.scatter [tilespmem:s19], [sflag:$0x1], $0x8, s18, s14, $0xb8;
	[tilespmem:$0x8690] =	vst v63  }
0x105: {  	_ = 	snop  }
0x106: {  	[hbm4b:s3+s14] =	stream.indirect.scatter [tilespmem:s21], [sflag:$0x1], $0x8, s20, s14, $0xb8;
	[tilespmem:$0x8690] =	vst v63  }
0x107: {  	_ = 	snop  }
0x108: {  	[hbm4b:s3+s14] =	stream.indirect.scatter [tilespmem:s23], [sflag:$0x1], $0x8, s22, s14, $0xb8;
	[tilespmem:$0x8690] =	vst v63  }
0x109: {  	_ = 	snop  }
0x10a: {  	[hbm4b:s3+s14] =	stream.indirect.scatter [tilespmem:s25], [sflag:$0x1], $0x8, s24, s14, $0xb8;
	[tilespmem:$0x8690] =	vst v63  }
0x10b: {  	_ =	swait.ge [sflag:s26], $0x400  }
0x10c: {  	[sflag:s26] =	ssyncset.done $0x0  }
0x10d: {  	[sflag:s26] =	ssyncadd.s32 $0xFFFFFC00  }
0x10e: {  	_ =	swait.ge [sflag:s26], $0x400  }
0x10f: {  	[sflag:s26] =	ssyncset.done $0x0  }
0x110: {  	[sflag:s26] =	ssyncadd.s32 $0xFFFFFC00  }
0x111: {  	_ =	swait.ge [sflag:s26], $0x400  }
0x112: {  	[sflag:s26] =	ssyncset.done $0x0  }
0x113: {  	[sflag:s26] =	ssyncadd.s32 $0xFFFFFC00  }
0x114: {  	_ =	swait.ge [sflag:s26], $0x400  }
0x115: {  	[sflag:s26] =	ssyncset.done $0x0  }
0x116: {  	[sflag:s26] =	ssyncadd.s32 $0xFFFFFC00  }
0x117: {  	_ =	swait.ge [sflag:s26], $0x400  }
0x118: {  	[sflag:s26] =	ssyncset.done $0x0  }
0x119: {  	[sflag:s26] =	ssyncadd.s32 $0xFFFFFC00  }
0x11a: {  	_ =	swait.ge [sflag:s26], $0x400  }
0x11b: {  	[sflag:s26] =	ssyncset.done $0x0  }
0x11c: {  	[sflag:s26] =	ssyncadd.s32 $0xFFFFFC00  }
0x11d: {  	_ =	swait.ge [sflag:s26], $0x400  }
0x11e: {  	[sflag:s26] =	ssyncset.done $0x0  }
0x11f: {  	[sflag:s26] =	ssyncadd.s32 $0xFFFFFC00  }
0x120: {  	_ =	swait.ge [sflag:s26], $0x400  }
0x121: {  	[sflag:s26] =	ssyncset.done $0x0  }
0x122: {  	[sflag:s26] =	ssyncadd.s32 $0xFFFFFC00  }
0x123: {  	_ =	swait.ge [sflag:s26], $0x400  }
0x124: {  	[sflag:s26] =	ssyncset.done $0x0  }
0x125: {  	[sflag:s26] =	ssyncadd.s32 $0xFFFFFC00  }
0x126: {  	_ =	swait.ge [sflag:s26], $0x400  }
0x127: {  	[sflag:s26] =	ssyncset.done $0x0  }
0x128: {  	[sflag:s26] =	ssyncadd.s32 $0xFFFFFC00  }
0x129: {  	_ =	swait.ge [sflag:s26], $0x400  }
0x12a: {  	[sflag:s26] =	ssyncset.done $0x0  }
0x12b: {  	[sflag:s26] =	ssyncadd.s32 $0xFFFFFC00  }
0x12c: {  	_ =	swait.ge [sflag:s26], $0x400  }
0x12d: {  	[sflag:s26] =	ssyncset.done $0x0  }
0x12e: {  	[sflag:s26] =	ssyncadd.s32 $0xFFFFFC00  }
0x12f: {  	_ =	swait.ge [sflag:s26], $0x400  }
0x130: {  	[sflag:s26] =	ssyncset.done $0x0  }
0x131: {  	[sflag:s26] =	ssyncadd.s32 $0xFFFFFC00  }
0x132: {  	_ =	swait.ge [sflag:s26], $0x400  }
0x133: {  	[sflag:s26] =	ssyncset.done $0x0  }
0x134: {  	[sflag:s26] =	ssyncadd.s32 $0xFFFFFC00  }
0x135: {  	_ =	swait.ge [sflag:s26], $0x400  }
.Ltmp11:
0x136: {  	[sflag:s26] =	ssyncset.done $0x0;
	(pc) =	sbr.rel @p0 .LBB2_39-.Ltmp11, $4  }
0x137: {  	[sflag:s26] =	ssyncadd.s32 $0xFFFFFC00  }
0x138: {  	_ =	swait.ge [sflag:s26], $0x400  }
0x139: {  	[sflag:s26] =	ssyncset.done $0x0  }
0x13a: {  	[sflag:s26] =	ssyncadd.s32 $0xFFFFFC00  }
0x13b: {  	s0 =	simm.s32 $0x0;
	s29 =	rddreg [dreg:$0x2]  }
0x13c: {  	[tilespmem:s0], [sflag:$0x2] =	stream.linear.gather [hbm4b:s29+s0], $0x3E80, $0x38;
	[tilespmem:$0x8690] =	vst v63  }
0x13d: {  	_ =	swait.ge [sflag:s11], $0x3E80  }
0x13e: {  	[sflag:s11] =	ssyncset.done $0x0  }
0x13f: {  	s30 =	simm.s32 $0x8680;
	s29 =	rddreg [dreg:$0x3];
	[sflag:s11] =	ssyncadd.s32 $0xFFFFC180  }
0x140: {  	[tilespmem:s30], [sflag:$0x2] =	stream.linear.gather [hbm4b:s29+s0], $0x10, $0x38;
	[tilespmem:$0x8690] =	vst v63  }
0x141: {  	_ =	swait.ge [sflag:s11], $0x10  }
0x142: {  	[sflag:s11] =	ssyncset.done $0x0  }
0x143: {  	[sflag:s11] =	ssyncadd.s32 $0xFFFFFFF0  }
0x144: {  	v9 =	vld [tilespmem:$0x8680];
	_ =	sdelay $0x4  }
0x145: {  	(xrf0) =	vmax.scan.msk.f32 $0xffff, v9;
	_ =	sdelay $0x4  }
0x146: {  	s0 =	simm.s32 $0x36B0  }
0x147: {  	v11 =	vor.u32 s10, v0;
	v10 =	vld [tilespmem:s0+$0xFFFFF830];
	v9, _, _ =	vpop (xrf0)  }
0x148: {  	v11 =	vcvt.s32.f32 v11;
	v12 =	vld [tilespmem:s0+$0x0];
	v9 =	vbroadcast v9, $0xF;
	_ =	sdelay $0x1  }
0x149: {  	v11 =	vadd.f32 v11, v9;
	_ =	sdelay $0x1  }
0x14a: {  	v13 =	vadd.f32 $-1.000000000e+00, v10;
	v10 =	vsub.f32 v11, v10  }
0x14b: {  	vm0 =	vgt.f32 v12, $0.0e+00  }
0x14c: {  	v10 =	vsel vm0, v13, v10  }
0x14d: {  	v10 =	vadd.f32 $6.000000000e+04, v10;
	_ =	sdelay $0x1  }
0x14e: {  	v10 =	vtrunc.f32 v10  }
0x14f: {  	v10 =	vcvt.f32.s32 v10  }
0x150: {  	s29 =	simm.s32 $0x7E80  }
0x151: {  	s31 =	sadd.s32 $0x10, s10;
	s30 =	simm.s32 $0x36C0;
	[tilespmem:s29+$0x0] =	vst v10  }
0x152: {  	s0 =	simm.s32 $0x2;
	v11 =	vor.u32 s31, v0;
	v10 =	vld [tilespmem:s30+$0xFFFFF830]  }
.LBB2_21:
0x153: {  	p1 =	sne.s32 s0, $0x7C;
	v12 =	vld [tilespmem:s30+$0x0];
	v11 =	vcvt.s32.f32 v11;
	_ =	sdelay $0x1  }
0x154: {  	v11 =	vadd.f32 v11, v9;
	_ =	sdelay $0x1  }
0x155: {  	v13 =	vadd.f32 $-1.000000000e+00, v10;
	v10 =	vsub.f32 v11, v10  }
0x156: {  	vm0 =	vgt.f32 v12, $0.0e+00  }
0x157: {  	v10 =	vsel vm0, v13, v10  }
0x158: {  	v10 =	vadd.f32 $6.000000000e+04, v10;
	_ =	sdelay $0x1  }
.Ltmp12:
0x159: {  	v10 =	vtrunc.f32 v10;
	(pc) =	sbr.rel @p1 .LBB2_21-.Ltmp12, $4  }
0x15a: {  	v10 =	vcvt.f32.s32 v10  }
0x15b: {  	s29 =	sadd.s32 $0x10, s29  }
0x15c: {  	s30 =	sadd.s32 $0x10, s30;
	s31 =	sadd.s32 $0x10, s31;
	[tilespmem:s29+$0x0] =	vst v10  }
0x15d: {  	s0 =	sadd.s32 $0x1, s0;
	v11 =	vor.u32 s31, v0;
	v10 =	vld [tilespmem:s30+$0xFFFFF830]  }
0x15e: {  	v12 =	vld [tilespmem:s30+$0x0];
	v11 =	vcvt.s32.f32 v11;
	_ =	sdelay $0x1  }
0x15f: {  	v9 =	vadd.f32 v11, v9;
	_ =	sdelay $0x1  }
0x160: {  	v11 =	vadd.f32 $-1.000000000e+00, v10;
	v9 =	vsub.f32 v9, v10  }
0x161: {  	vm0 =	vgt.f32 v12, $0.0e+00  }
0x162: {  	v9 =	vsel vm0, v11, v9  }
0x163: {  	v9 =	vadd.f32 $6.000000000e+04, v9;
	_ =	sdelay $0x1  }
0x164: {  	v9 =	vtrunc.f32 v9  }
0x165: {  	v9 =	vcvt.f32.s32 v9  }
0x166: {  	s0 =	sadd.s32 $0x10, s29  }
0x167: {  	[tilespmem:s0+$0x0] =	vst v9  }
0x168: {  	s0 =	simm.s32 $0x0;
	[tilespmem:$0x8650] =	vst v5  }
0x169: {  	[tilespmem:$0x8660] =	vst v6;
	v9 =	vmov s0  }
0x16a: {  	[tilespmem:$0x8670] =	vst v7;
	v9 =	vshll.u32 v9, $0x3  }
0x16b: {  	s29 =	simm.s32 $0x10;
	v10 =	vld [tilespmem:s0+$0x0];
	v11 =	vor.u32 v8, v9  }
.LBB2_23:
0x16c: {  	p1 =	sne.s32 s29, $0x7C0  }
.Ltmp13:
0x16d: {  	_ = 	snop;
	(pc) =	sbr.rel @p1 .LBB2_23-.Ltmp13, $4  }
0x16e: {  	_ = 	snop  }
0x16f: {  	v12 =	vmov s29;
	s29 =	sadd.s32 $0x10, s29  }
0x170: {  	s0 =	sadd.s32 $0x10, s0;
	v12 =	vshll.u32 v12, $0x3;
	[tilespmem:v11+s13+$0x0] =	vst.idx.msk $0xffff, v10  }
0x171: {  	v11 =	vor.u32 v8, v12;
	v10 =	vld [tilespmem:s0+$0x0]  }
0x172: {  	_ =	sdelay $0x3  }
0x173: {  	s0 =	simm.s32 $0x7D0;
	[tilespmem:v11+s13+$0x0] =	vst.idx.msk $0xffff, v10;
	v10 =	vor.u32 v8, v9  }
0x174: {  	s29 =	simm.s32 $0x10;
	v9 =	vld [tilespmem:s0+$0x0];
	v10 =	vor.u32 $0x1, v10  }
.LBB2_25:
0x175: {  	p1 =	sne.s32 s29, $0x7C0  }
.Ltmp14:
0x176: {  	_ = 	snop;
	(pc) =	sbr.rel @p1 .LBB2_25-.Ltmp14, $4  }
0x177: {  	v11 =	vmov s29  }
0x178: {  	v11 =	vshll.u32 v11, $0x3  }
0x179: {  	s0 =	sadd.s32 $0x10, s0;
	v11 =	vor.u32 v8, v11;
	[tilespmem:v10+s13+$0x0] =	vst.idx.msk $0xffff, v9  }
0x17a: {  	s29 =	sadd.s32 $0x10, s29;
	v10 =	vor.u32 $0x1, v11;
	v9 =	vld [tilespmem:s0+$0x0]  }
0x17b: {  	_ = 	snop  }
0x17c: {  	s0 =	simm.s32 $0x0  }
0x17d: {  	v11 =	vmov s0  }
0x17e: {  	v11 =	vshll.u32 v11, $0x3  }
0x17f: {  	s0 =	simm.s32 $0xFA0;
	[tilespmem:v10+s13+$0x0] =	vst.idx.msk $0xffff, v9;
	v9 =	vor.u32 v8, v11  }
0x180: {  	s29 =	simm.s32 $0x10;
	v10 =	vld [tilespmem:s0+$0x0];
	v11 =	vor.u32 $0x2, v9  }
.LBB2_27:
0x181: {  	p1 =	sne.s32 s29, $0x7C0  }
.Ltmp15:
0x182: {  	_ = 	snop;
	(pc) =	sbr.rel @p1 .LBB2_27-.Ltmp15, $4  }
0x183: {  	v12 =	vmov s29  }
0x184: {  	v12 =	vshll.u32 v12, $0x3  }
0x185: {  	s0 =	sadd.s32 $0x10, s0;
	v12 =	vor.u32 v8, v12;
	[tilespmem:v11+s13+$0x0] =	vst.idx.msk $0xffff, v10  }
0x186: {  	s29 =	sadd.s32 $0x10, s29;
	v11 =	vor.u32 $0x2, v12;
	v10 =	vld [tilespmem:s0+$0x0]  }
0x187: {  	_ =	sdelay $0x3  }
0x188: {  	s0 =	simm.s32 $0x1770;
	[tilespmem:v11+s13+$0x0] =	vst.idx.msk $0xffff, v10  }
0x189: {  	s29 =	simm.s32 $0x10;
	v9 =	vor.u32 $0x3, v9;
	v10 =	vld [tilespmem:s0+$0x0]  }
.LBB2_29:
0x18a: {  	p1 =	sne.s32 s29, $0x7C0  }
.Ltmp16:
0x18b: {  	_ = 	snop;
	(pc) =	sbr.rel @p1 .LBB2_29-.Ltmp16, $4  }
0x18c: {  	v11 =	vmov s29  }
0x18d: {  	v11 =	vshll.u32 v11, $0x3  }
0x18e: {  	s0 =	sadd.s32 $0x10, s0;
	v11 =	vor.u32 v8, v11;
	[tilespmem:v9+s13+$0x0] =	vst.idx.msk $0xffff, v10  }
0x18f: {  	s29 =	sadd.s32 $0x10, s29;
	v9 =	vor.u32 $0x3, v11;
	v10 =	vld [tilespmem:s0+$0x0]  }
0x190: {  	_ = 	snop  }
0x191: {  	s0 =	simm.s32 $0x0  }
0x192: {  	v11 =	vmov s0  }
0x193: {  	v11 =	vshll.u32 v11, $0x3  }
0x194: {  	s0 =	simm.s32 $0x1F40;
	[tilespmem:v9+s13+$0x0] =	vst.idx.msk $0xffff, v10;
	v9 =	vor.u32 v8, v11  }
0x195: {  	s29 =	simm.s32 $0x10;
	v10 =	vld [tilespmem:s0+$0x0];
	v11 =	vor.u32 $0x4, v9  }
.LBB2_31:
0x196: {  	p1 =	sne.s32 s29, $0x7C0  }
.Ltmp17:
0x197: {  	_ = 	snop;
	(pc) =	sbr.rel @p1 .LBB2_31-.Ltmp17, $4  }
0x198: {  	v12 =	vmov s29  }
0x199: {  	v12 =	vshll.u32 v12, $0x3  }
0x19a: {  	s0 =	sadd.s32 $0x10, s0;
	v12 =	vor.u32 v8, v12;
	[tilespmem:v11+s13+$0x0] =	vst.idx.msk $0xffff, v10  }
0x19b: {  	s29 =	sadd.s32 $0x10, s29;
	v11 =	vor.u32 $0x4, v12;
	v10 =	vld [tilespmem:s0+$0x0]  }
0x19c: {  	_ =	sdelay $0x3  }
0x19d: {  	s0 =	simm.s32 $0x2710;
	[tilespmem:v11+s13+$0x0] =	vst.idx.msk $0xffff, v10  }
0x19e: {  	s29 =	simm.s32 $0x10;
	v9 =	vor.u32 $0x5, v9;
	v10 =	vld [tilespmem:s0+$0x0]  }
.LBB2_33:
0x19f: {  	p1 =	sne.s32 s29, $0x7C0  }
.Ltmp18:
0x1a0: {  	_ = 	snop;
	(pc) =	sbr.rel @p1 .LBB2_33-.Ltmp18, $4  }
0x1a1: {  	v11 =	vmov s29  }
0x1a2: {  	v11 =	vshll.u32 v11, $0x3  }
0x1a3: {  	s0 =	sadd.s32 $0x10, s0;
	v11 =	vor.u32 v8, v11;
	[tilespmem:v9+s13+$0x0] =	vst.idx.msk $0xffff, v10  }
0x1a4: {  	s29 =	sadd.s32 $0x10, s29;
	v9 =	vor.u32 $0x5, v11;
	v10 =	vld [tilespmem:s0+$0x0]  }
0x1a5: {  	_ = 	snop  }
0x1a6: {  	s0 =	simm.s32 $0x0  }
0x1a7: {  	v11 =	vmov s0  }
0x1a8: {  	v11 =	vshll.u32 v11, $0x3  }
0x1a9: {  	s0 =	simm.s32 $0x2EE0;
	[tilespmem:v9+s13+$0x0] =	vst.idx.msk $0xffff, v10;
	v9 =	vor.u32 v8, v11  }
0x1aa: {  	s29 =	simm.s32 $0x10;
	v10 =	vld [tilespmem:s0+$0x0];
	v11 =	vor.u32 $0x6, v9  }
.LBB2_35:
0x1ab: {  	p1 =	sne.s32 s29, $0x7C0  }
.Ltmp19:
0x1ac: {  	_ = 	snop;
	(pc) =	sbr.rel @p1 .LBB2_35-.Ltmp19, $4  }
0x1ad: {  	v12 =	vmov s29  }
0x1ae: {  	v12 =	vshll.u32 v12, $0x3  }
0x1af: {  	s0 =	sadd.s32 $0x10, s0;
	v12 =	vor.u32 v8, v12;
	[tilespmem:v11+s13+$0x0] =	vst.idx.msk $0xffff, v10  }
0x1b0: {  	s29 =	sadd.s32 $0x10, s29;
	v11 =	vor.u32 $0x6, v12;
	v10 =	vld [tilespmem:s0+$0x0]  }
0x1b1: {  	_ =	sdelay $0x3  }
0x1b2: {  	s0 =	simm.s32 $0x36B0;
	[tilespmem:v11+s13+$0x0] =	vst.idx.msk $0xffff, v10  }
0x1b3: {  	s29 =	simm.s32 $0x10;
	v9 =	vor.u32 $0x7, v9;
	v10 =	vld [tilespmem:s0+$0x0]  }
.LBB2_37:
0x1b4: {  	p1 =	sne.s32 s29, $0x7C0  }
.Ltmp20:
0x1b5: {  	_ = 	snop;
	(pc) =	sbr.rel @p1 .LBB2_37-.Ltmp20, $4  }
0x1b6: {  	v11 =	vmov s29  }
0x1b7: {  	v11 =	vshll.u32 v11, $0x3  }
0x1b8: {  	[tilespmem:v9+s13+$0x0] =	vst.idx.msk $0xffff, v10;
	s0 =	sadd.s32 $0x10, s0;
	v11 =	vor.u32 v8, v11  }
0x1b9: {  	s29 =	sadd.s32 $0x10, s29;
	v10 =	vld [tilespmem:s0+$0x0];
	v9 =	vor.u32 $0x7, v11  }
.Ltmp21:
0x1ba: {  	_ = 	snop;
	(pc) =	sbr.rel .LBB2_38-.Ltmp21, $1  }
0x1bb: {  	_ =	sdelay $0x3  }
.LBB2_40:
0x1bc: {  	_ =	sfence.sel $0x180000  }
0x1bd: {  	[bflag:$0x0] =	sbarrier.arrive $0xFFFF  }
0x1be: {  	_ =	strace $0x90000047  }
0x1bf: {  	s0 =	stileid.u32;
	[bflag:$0x2] =	sbarrier.arrive $0xFFFF  }
0x1c0: {  	p0 =	sne.s32 s0, $0x0;
	s0 =	rddreg [dreg:$0x1]  }
0x1c1: {  	s0 =	sadd.s32 @!p0 $0x100000, s0  }
0x1c2: {  	[sflag:s0] =	ssyncadd.tile.s32 @!p0 $0x1;
	_ =	shalt  }
.Lfunc_end2:
_tile_overlayer_lowered:
.L_overlay_start_2:
0x1c3: {  	(tag) =	ssettag $0x2  }
0x1c4: {  	s0 =	rddreg [dreg:$0x0];
	s2 =	stileid.u32  }
0x1c5: {  	s1 =	rddreg [dreg:$0x1];
	p0 =	sne.s32 s2, $0x0  }
0x1c6: {  	s3 =	rddreg [dreg:$0x2];
	[bflag:$0x3] =	sbarrier.arrive $0xFFFF;
	s2 =	simm.s32 @!p0 $0x1C02  }
0x1c7: {  	[timem:s3], [sflag:s2] =	dma.local @!p0 [hbm:s0], s1  }
0x1c8: {  	s0 =	simm.s32 @!p0 $0x2  }
0x1c9: {  	_ =	swait.ge @!p0 [sflag:s0], s1  }
0x1ca: {  	s1 =	ssub.s32 @!p0 $0x0, s1;
	[sflag:s0] =	ssyncset.done @!p0 $0x0  }
0x1cb: {  	[sflag:s0] =	ssyncadd.s32 @!p0 s1  }
0x1cc: {  	[bflag:$0x3] =	sbarrier.arrive $0xFFFF  }
0x1cd: {  	_ =	shalt  }

</sc_bundles>
